<compile_context>
chip_gen: v7x
topology: tpu7x:2x2x1
jax: 0.10.2.dev20260603
libtpu: 0.0.44.dev20260713+nightly
codegen_flags: <defaults>
</compile_context>

<pallas_src>
import functools

import jax
import jax.numpy as jnp
from jax import lax
from jax.experimental import pallas as pl
from jax.experimental.pallas import tpu as pltpu
from jax.experimental.pallas import tpu_sc as plsc

_B = 8
_N = 4096
_C = 35
_K = 512
_S = 32
_R2 = 0.25 * 0.25
_CP = 128
_KC = 128
_NW = 32
_CH = 128


def _fps_body(px_ref, py_ref, pz_ref, ocx_ref, ocy_ref, ocz_ref):
    px = px_ref[...]
    py = py_ref[...]
    pz = pz_ref[...]
    lane_n = lax.broadcasted_iota(jnp.int32, (_B, _N), 1)
    lane_k = lax.broadcasted_iota(jnp.int32, (_B, _K), 1)

    lx = px[:, 0:1]
    ly = py[:, 0:1]
    lz = pz[:, 0:1]
    zero_k = jnp.zeros((_B, _K), jnp.float32)
    acx = jnp.where(lane_k == 0, lx, zero_k)
    acy = jnp.where(lane_k == 0, ly, zero_k)
    acz = jnp.where(lane_k == 0, lz, zero_k)
    dists = jnp.full((_B, _N), jnp.inf, jnp.float32)

    def body(i, st):
        dists, lx, ly, lz, acx, acy, acz = st
        d = (px - lx) ** 2 + (py - ly) ** 2 + (pz - lz) ** 2
        dists = jnp.minimum(dists, d)
        nxt = jnp.argmax(dists, axis=1).astype(jnp.int32)
        onehot = lane_n == nxt[:, None]
        lx = jnp.sum(jnp.where(onehot, px, 0.0), axis=1, keepdims=True)
        ly = jnp.sum(jnp.where(onehot, py, 0.0), axis=1, keepdims=True)
        lz = jnp.sum(jnp.where(onehot, pz, 0.0), axis=1, keepdims=True)
        sel = lane_k == i
        acx = jnp.where(sel, lx, acx)
        acy = jnp.where(sel, ly, acy)
        acz = jnp.where(sel, lz, acz)
        return dists, lx, ly, lz, acx, acy, acz

    st = (dists, lx, ly, lz, acx, acy, acz)
    st = lax.fori_loop(1, _K, body, st)
    _, _, _, _, acx, acy, acz = st
    ocx_ref[...] = acx
    ocy_ref[...] = acy
    ocz_ref[...] = acz


def _fps(px, py, pz):
    out = [jax.ShapeDtypeStruct((_B, _K), jnp.float32)] * 3
    return pl.pallas_call(_fps_body, out_shape=out)(px, py, pz)


def _ball_body(b0, px_ref, py_ref, pz_ref, cx_ref, cy_ref, cz_ref, o_ref):
    b = pl.program_id(0) + b0
    kb = pl.program_id(1)
    rsel = lax.broadcasted_iota(jnp.int32, (_B, _N), 0) == b
    pick_row = lambda r: jnp.sum(jnp.where(rsel, r[...], 0.0), axis=0,
                                 keepdims=True)
    pxr = pick_row(px_ref)
    pyr = pick_row(py_ref)
    pzr = pick_row(pz_ref)
    k0 = kb * _KC
    csel = lax.broadcasted_iota(jnp.int32, (_KC, _B), 1) == b
    pick_col = lambda r: jnp.sum(
        jnp.where(csel, r[pl.ds(k0, _KC), :], 0.0), axis=1, keepdims=True)
    cxc = pick_col(cx_ref)
    cyc = pick_col(cy_ref)
    czc = pick_col(cz_ref)

    cn = cxc * cxc + cyc * cyc + czc * czc
    pn = pxr * pxr + pyr * pyr + pzr * pzr
    cmat = jnp.concatenate(
        [cxc, cyc, czc, jnp.zeros((_KC, 5), jnp.float32)], axis=1)
    pmat = jnp.concatenate(
        [pxr, pyr, pzr, jnp.zeros((5, _N), jnp.float32)], axis=0)
    dot = jnp.dot(cmat, pmat, preferred_element_type=jnp.float32)
    d2 = cn + pn - 2.0 * dot
    mask = d2 < _R2

    iota_f = lax.broadcasted_iota(jnp.int32, (_KC, _N), 1).astype(jnp.float32)
    bigf = jnp.float32(_N)
    vals = jnp.where(mask, iota_f, bigf)

    cols = []
    first = None
    m = jnp.full((_KC, 1), -1.0, jnp.float32)
    for s in range(_S):
        masked = jnp.where(vals > m, vals, bigf)
        m = jnp.min(masked, axis=1, keepdims=True)
        found = m < bigf
        if s == 0:
            first = jnp.where(found, m, 0.0)
        cols.append(jnp.where(found, m, first))
    idx = jnp.concatenate(cols, axis=1).astype(jnp.int32)
    o_ref[...] = (idx + b * _N)[None]


def _ball(px, py, pz, cxt, cyt, czt, b0, nb):
    full2 = lambda shape: pl.BlockSpec(shape, lambda b, k: (0, 0))
    return pl.pallas_call(
        functools.partial(_ball_body, b0),
        grid=(nb, _K // _KC),
        in_specs=[
            full2((_B, _N)), full2((_B, _N)), full2((_B, _N)),
            full2((_K, _B)), full2((_K, _B)), full2((_K, _B)),
        ],
        out_specs=pl.BlockSpec((1, _KC, _S), lambda b, k: (b, k, 0)),
        out_shape=jax.ShapeDtypeStruct((nb, _K, _S), jnp.int32),
    )(px, py, pz, cxt, cyt, czt)


def _sc_gather(table, idx):
    tot = idx.shape[0]
    per_w = tot // _NW
    nch = per_w // _CH
    mesh = plsc.VectorSubcoreMesh(core_axis_name="c", subcore_axis_name="s")

    @functools.partial(
        pl.kernel,
        mesh=mesh,
        out_type=jax.ShapeDtypeStruct((tot, _CP), jnp.float32),
        scratch_types=[
            pltpu.VMEM((_CH,), jnp.int32),
            pltpu.VMEM((_CH, _CP), jnp.float32),
            pltpu.SemaphoreType.DMA,
        ],
    )
    def gk(table_hbm, idx_hbm, out_hbm, idx_v, rows_v, sem):
        wid = lax.axis_index("s") * 2 + lax.axis_index("c")
        w0 = wid * per_w

        def body(ch, carry):
            base = pl.multiple_of(w0 + ch * _CH, _CH)
            pltpu.sync_copy(idx_hbm.at[pl.ds(base, _CH)], idx_v)
            pltpu.async_copy(table_hbm.at[idx_v], rows_v, sem).wait()
            pltpu.sync_copy(rows_v, out_hbm.at[pl.ds(base, _CH)])
            return carry

        lax.fori_loop(0, nch, body, 0)

    return gk(table, idx)


def _mlp_body(g_ref, c_ref, w1_ref, wc_ref, w2_ref, b2_ref, w3_ref,
              b3_ref, o_ref):
    f32 = jnp.float32
    bias = jnp.dot(c_ref[...], wc_ref[...], preferred_element_type=f32)
    h = jnp.dot(g_ref[...], w1_ref[...], preferred_element_type=f32)
    h = h.reshape(_KC, _S, 128) + bias[:, None, :]
    h = jnp.maximum(h, 0.0).reshape(_KC * _S, 128)
    h = jnp.dot(h, w2_ref[...], preferred_element_type=f32) + b2_ref[0:1, :]
    h = jnp.maximum(h, 0.0)
    h = jnp.dot(h, w3_ref[...], preferred_element_type=f32) + b3_ref[0:1, :]
    h = jnp.maximum(h, 0.0)
    o_ref[...] = jnp.max(h.reshape(_KC, _S, 256), axis=1)


def _mlp(g, caug, w1p, wc, w2, b2t, w3, b3t):
    rows = _KC * _S
    nblk = caug.shape[0] // _KC
    whole = lambda shape: pl.BlockSpec(shape, lambda i: (0, 0))
    return pl.pallas_call(
        _mlp_body,
        grid=(nblk,),
        in_specs=[
            pl.BlockSpec((rows, _CP), lambda i: (i, 0)),
            pl.BlockSpec((_KC, 8), lambda i: (i, 0)),
            whole((_CP, 128)),
            whole((8, 128)),
            whole((128, 256)),
            whole((8, 256)),
            whole((256, 256)),
            whole((8, 256)),
        ],
        out_specs=pl.BlockSpec((_KC, 256), lambda i: (i, 0)),
        out_shape=jax.ShapeDtypeStruct((caug.shape[0], 256), jnp.float32),
    )(g, caug, w1p, wc, w2, b2t, w3, b3t)


def kernel(x, W1, b1, W2, b2, W3, b3):
    px = x[:, :, 0]
    py = x[:, :, 1]
    pz = x[:, :, 2]

    cx, cy, cz = _fps(px, py, pz)

    xpad = jnp.pad(x, ((0, 0), (0, 0), (0, _CP - _C)))
    table = xpad.reshape(_B * _N, _CP)

    ones = jnp.ones((_B * _K, 1), jnp.float32)
    zeros4 = jnp.zeros((_B * _K, 4), jnp.float32)
    caug = jnp.concatenate(
        [cx.reshape(-1, 1), cy.reshape(-1, 1), cz.reshape(-1, 1), ones,
         zeros4], axis=1)
    w1p = jnp.concatenate([W1, jnp.zeros((_CP - _C, 128), jnp.float32)],
                          axis=0)
    wc = jnp.concatenate(
        [-W1[:3], b1[None, :], jnp.zeros((4, 128), jnp.float32)], axis=0)
    b2t = jnp.broadcast_to(b2[None, :], (8, 256))
    b3t = jnp.broadcast_to(b3[None, :], (8, 256))

    nb = _B // 2
    cxt, cyt, czt = cx.T, cy.T, cz.T
    hs = []
    for b0 in (0, nb):
        idxh = _ball(px, py, pz, cxt, cyt, czt, b0, nb)
        gh = _sc_gather(table, idxh.reshape(-1))
        ch = caug[b0 * _K:(b0 + nb) * _K]
        hs.append(_mlp(gh, ch, w1p, wc, W2, b2t, W3, b3t))
    h = jnp.concatenate(hs, axis=0)

    centroid = jnp.stack([cx, cy, cz], axis=-1)
    return jnp.concatenate(
        [centroid, h.reshape(_B, _K, 256)], axis=2)

# --- scband reference (transcript-rebuilt; emitter-appended) ---
"""Pipeline reference for scband-set-abstraction-73065983640300 (READ-ONLY COPY).

The authoritative reference and input builder live on the scoring server;
editing this copy changes nothing except your own understanding.
"""

import jax, jax.numpy as jnp
import numpy as np

B = 8
N = 4096
C = 35
N_OUT = 512
N_SAMPLE = 32
RADIUS = 0.25


def setup_inputs(seed: int = 0) -> dict:
    key = jax.random.key(seed)
    ks = jax.random.split(key, 8)
    x = jax.random.uniform(ks[0], (B, N, C), dtype=jnp.float32)
    W1 = jax.random.normal(ks[1], (35, 128), dtype=jnp.float32) * 0.05
    b1 = jnp.zeros((128,), dtype=jnp.float32)
    W2 = jax.random.normal(ks[2], (128, 256), dtype=jnp.float32) * 0.05
    b2 = jnp.zeros((256,), dtype=jnp.float32)
    W3 = jax.random.normal(ks[3], (256, 256), dtype=jnp.float32) * 0.05
    b3 = jnp.zeros((256,), dtype=jnp.float32)
    return {"x": x, "W1": W1, "b1": b1, "W2": W2, "b2": b2, "W3": W3, "b3": b3}


def farthest_point_sampling(pos, K):
    # pos: [B, N, 3]; deterministic start at index 0 (random_start_point replaced by fixed start)
    Bb, Nn, _ = pos.shape
    start = jnp.zeros((Bb,), dtype=jnp.int32)
    idxs = jnp.zeros((Bb, K), dtype=jnp.int32)
    dists = jnp.full((Bb, Nn), jnp.inf, dtype=pos.dtype)

    def body(i, state):
        dists, idxs, last = state
        last_pt = jnp.take_along_axis(pos, last[:, None, None], axis=1)  # [B,1,3]
        d = jnp.sum((pos - last_pt) ** 2, axis=-1)  # [B,N]
        dists = jnp.minimum(dists, d)
        nxt = jnp.argmax(dists, axis=-1).astype(jnp.int32)
        idxs = idxs.at[:, i].set(nxt)
        return (dists, idxs, nxt)

    dists, idxs, _ = jax.lax.fori_loop(1, K, body, (dists, idxs, start))
    return idxs


def ball_query(centroid, pos, S, radius):
    # centroid: [B,K,3], pos: [B,N,3] -> idx [B,K,S]
    Nn = pos.shape[1]
    cn = jnp.sum(centroid ** 2, axis=-1)  # [B,K]
    pn = jnp.sum(pos ** 2, axis=-1)  # [B,N]
    dot = jnp.einsum('bkd,bnd->bkn', centroid, pos)
    d2 = cn[..., None] + pn[:, None, :] - 2.0 * dot  # [B,K,N]
    mask = d2 < radius * radius
    order = jnp.where(mask, jnp.arange(Nn, dtype=jnp.int32)[None, None, :], Nn)
    sorted_order = jnp.sort(order, axis=-1)[..., :S]  # first S in-radius indices (or N pad)
    valid = sorted_order < Nn
    first = sorted_order[..., :1]
    first = jnp.where(first < Nn, first, 0)
    idx = jnp.where(valid, sorted_order, first)  # pad with first valid index (PointNet++ style)
    return idx.astype(jnp.int32)


def reference(x, W1, b1, W2, b2, W3, b3):
    pos = x[:, :, :3]
    pos_sg = jax.lax.stop_gradient(pos)
    fps_idx = farthest_point_sampling(pos_sg, N_OUT)  # [B,K]
    centroid = jnp.take_along_axis(pos, fps_idx[:, :, None], axis=1)  # [B,K,3]
    idx = ball_query(jax.lax.stop_gradient(centroid), pos_sg, N_SAMPLE, RADIUS)  # [B,K,S]
    grouped = jnp.take_along_axis(x[:, :, None, :], idx[:, :, :, None], axis=1)  # [B,K,S,C]
    grouped = jnp.concatenate([grouped[..., :3] - centroid[:, :, None, :], grouped[..., 3:]], axis=-1)
    flat = grouped.reshape(x.shape[0], N_OUT * N_SAMPLE, C)
    h = jax.nn.relu(flat @ W1 + b1)
    h = jax.nn.relu(h @ W2 + b2)
    h = jax.nn.relu(h @ W3 + b3)
    h = h.reshape(x.shape[0], N_OUT, N_SAMPLE, h.shape[-1])
    h = jnp.max(h, axis=2)  # [B,K,256]
    return jnp.concatenate([centroid, h], axis=2)  # [B,K,259]

if __name__ == "__main__":
    import jax
    _d = setup_inputs()
    print(jax.jit(kernel)(*tuple(_d.values())))

</pallas_src>

<mosaic_0001>
#map = affine_map<(d0, d1) -> (0, 0)>
#map1 = affine_map<(d0, d1) -> (0)>
module attributes {stable_mosaic.version = 14 : i64} {
  func.func @gk(%arg0: i32, %arg1: i32, %arg2: memref<32768x128xf32, #tpu.memory_space<hbm>>, %arg3: memref<65536xi32, #tpu.memory_space<hbm>>, %arg4: memref<65536x128xf32, #tpu.memory_space<hbm>>, %arg5: memref<128xi32, #tpu.memory_space<vmem>>, %arg6: memref<128x128xf32, #tpu.memory_space<vmem>>, %arg7: memref<!tpu.dma_semaphore, #tpu.memory_space<semaphore_mem>>) attributes {dimension_semantics = [#tpu.dimension_semantics<core_parallel>, #tpu.dimension_semantics<subcore_parallel>], iteration_bounds = array<i64: 2, 16>, scalar_prefetch = 0 : i64, scratch_operands = 3 : i64, tpu.core_type = #tpu.core_type<sc_vector_subcore>, window_params = [{transform_indices = #map}, {transform_indices = #map1}, {transform_indices = #map}]} {
    %mul3A = arith.constant 2 : i32
    %mul3A_0 = arith.muli %arg1, %mul3A : i32
    %add3A = arith.addi %mul3A_0, %arg0 : i32
    %mul3A_1 = arith.constant 2048 : i32
    %mul3A_2 = arith.muli %add3A, %mul3A_1 : i32
    %scan3A = arith.constant 0 : i32
    %scan3A_3 = arith.constant 0 : i32
    %scan3A_4 = arith.constant 16 : i32
    %scan3A_5 = arith.addi %scan3A_3, %scan3A_4 : i32
    %scan3A_6 = arith.constant 1 : i32
    scf.for %scan3A_8 = %scan3A_3 to %scan3A_5 step %scan3A_6  : i32 {
      %mul3A_9 = arith.constant 128 : i32
      %mul3A_10 = arith.muli %scan3A_8, %mul3A_9 : i32
      %add3A_11 = arith.addi %mul3A_2, %mul3A_10 : i32
      %multiple_of3A = tpu.assume_multiple %add3A_11, 128 : i32
      "tpu.region"() ({
        %run_scoped3A = tpu.sem_alloc : memref<!tpu.dma_semaphore, #tpu.memory_space<semaphore_mem>>
        %dma_start3A_16 = tpu.memref_slice %arg3[%multiple_of3A] : memref<65536xi32, #tpu.memory_space<hbm>> -> memref<128xi32, #tpu.memory_space<hbm>>
        %dma_start3A_17 = tpu.memref_slice %arg3[%multiple_of3A] : memref<65536xi32, #tpu.memory_space<hbm>> -> memref<128xi32, #tpu.memory_space<hbm>>
        tpu.enqueue_dma source(%dma_start3A_17 : memref<128xi32, #tpu.memory_space<hbm>>) target(%arg5 : memref<128xi32, #tpu.memory_space<vmem>>) target_semaphore(%run_scoped3A : memref<!tpu.dma_semaphore, #tpu.memory_space<semaphore_mem>>)
        %dma_wait3A_18 = tpu.memref_slice %arg3[%multiple_of3A] : memref<65536xi32, #tpu.memory_space<hbm>> -> memref<128xi32, #tpu.memory_space<hbm>>
        %dma_wait3A_19 = tpu.memref_slice %arg3[%multiple_of3A] : memref<65536xi32, #tpu.memory_space<hbm>> -> memref<128xi32, #tpu.memory_space<hbm>>
        tpu.wait_dma2 semaphore(%run_scoped3A : memref<!tpu.dma_semaphore, #tpu.memory_space<semaphore_mem>>) src(%dma_wait3A_19 : memref<128xi32, #tpu.memory_space<hbm>>) dst(%arg5 : memref<128xi32, #tpu.memory_space<vmem>>)
        tpu.yield
      }) : () -> ()
      %dma_start3A = arith.constant 0 : i32
      %dma_start3A_12 = arith.constant 0 : i32
      %dma_start3A_13 = tpu.memref_slice %arg2[%dma_start3A, %dma_start3A_12] : memref<32768x128xf32, #tpu.memory_space<hbm>> -> memref<32768x128xf32, #tpu.memory_space<hbm>>
      tpu.enqueue_indirect_dma source(%dma_start3A_13 : memref<32768x128xf32, #tpu.memory_space<hbm>>) target(%arg6 : memref<128x128xf32, #tpu.memory_space<vmem>>) offsets(%arg5 : memref<128xi32, #tpu.memory_space<vmem>>) semaphore(%arg7 : memref<!tpu.dma_semaphore, #tpu.memory_space<semaphore_mem>>)
      %dma_wait3A = arith.constant 0 : i32
      %dma_wait3A_14 = arith.constant 0 : i32
      %dma_wait3A_15 = tpu.memref_slice %arg2[%dma_wait3A, %dma_wait3A_14] : memref<32768x128xf32, #tpu.memory_space<hbm>> -> memref<32768x128xf32, #tpu.memory_space<hbm>>
      tpu.wait_indirect_dma semaphore(%arg7 : memref<!tpu.dma_semaphore, #tpu.memory_space<semaphore_mem>>) src(%dma_wait3A_15 : memref<32768x128xf32, #tpu.memory_space<hbm>>) dst(%arg6 : memref<128x128xf32, #tpu.memory_space<vmem>>)
      "tpu.region"() ({
        %run_scoped3A = tpu.sem_alloc : memref<!tpu.dma_semaphore, #tpu.memory_space<semaphore_mem>>
        %dma_start3A_16 = arith.constant 0 : i32
        %dma_start3A_17 = tpu.memref_slice %arg4[%multiple_of3A, %dma_start3A_16] : memref<65536x128xf32, #tpu.memory_space<hbm>> -> memref<128x128xf32, #tpu.memory_space<hbm>>
        %dma_start3A_18 = arith.constant 0 : i32
        %dma_start3A_19 = tpu.memref_slice %arg4[%multiple_of3A, %dma_start3A_18] : memref<65536x128xf32, #tpu.memory_space<hbm>> -> memref<128x128xf32, #tpu.memory_space<hbm>>
        tpu.enqueue_dma source(%arg6 : memref<128x128xf32, #tpu.memory_space<vmem>>) target(%dma_start3A_19 : memref<128x128xf32, #tpu.memory_space<hbm>>) target_semaphore(%run_scoped3A : memref<!tpu.dma_semaphore, #tpu.memory_space<semaphore_mem>>)
        %dma_wait3A_20 = arith.constant 0 : i32
        %dma_wait3A_21 = tpu.memref_slice %arg4[%multiple_of3A, %dma_wait3A_20] : memref<65536x128xf32, #tpu.memory_space<hbm>> -> memref<128x128xf32, #tpu.memory_space<hbm>>
        %dma_wait3A_22 = arith.constant 0 : i32
        %dma_wait3A_23 = tpu.memref_slice %arg4[%multiple_of3A, %dma_wait3A_22] : memref<65536x128xf32, #tpu.memory_space<hbm>> -> memref<128x128xf32, #tpu.memory_space<hbm>>
        tpu.wait_dma2 semaphore(%run_scoped3A : memref<!tpu.dma_semaphore, #tpu.memory_space<semaphore_mem>>) src(%arg6 : memref<128x128xf32, #tpu.memory_space<vmem>>) dst(%dma_wait3A_23 : memref<128x128xf32, #tpu.memory_space<hbm>>)
        tpu.yield
      }) : () -> ()
    }
    %scan3A_7 = arith.constant 16 : i32
    return
  }
}

#map = affine_map<(d0, d1) -> (0, 0)>
#map1 = affine_map<(d0, d1) -> (0)>
module attributes {stable_mosaic.version = 14 : i64} {
  func.func @gk(%arg0: i32, %arg1: i32, %arg2: memref<32768x128xf32, #tpu.memory_space<hbm>>, %arg3: memref<65536xi32, #tpu.memory_space<hbm>>, %arg4: memref<65536x128xf32, #tpu.memory_space<hbm>>, %arg5: memref<128xi32, #tpu.memory_space<vmem>>, %arg6: memref<128x128xf32, #tpu.memory_space<vmem>>, %arg7: memref<!tpu.dma_semaphore, #tpu.memory_space<semaphore_mem>>) attributes {dimension_semantics = [#tpu.dimension_semantics<core_parallel>, #tpu.dimension_semantics<subcore_parallel>], iteration_bounds = array<i64: 2, 16>, scalar_prefetch = 0 : i64, scratch_operands = 3 : i64, tpu.core_type = #tpu.core_type<sc_vector_subcore>, window_params = [{transform_indices = #map}, {transform_indices = #map1}, {transform_indices = #map}]} {
    %mul3A = arith.constant 2 : i32
    %mul3A_0 = arith.muli %arg1, %mul3A : i32
    %add3A = arith.addi %mul3A_0, %arg0 : i32
    %mul3A_1 = arith.constant 2048 : i32
    %mul3A_2 = arith.muli %add3A, %mul3A_1 : i32
    %scan3A = arith.constant 0 : i32
    %scan3A_3 = arith.constant 0 : i32
    %scan3A_4 = arith.constant 16 : i32
    %scan3A_5 = arith.addi %scan3A_3, %scan3A_4 : i32
    %scan3A_6 = arith.constant 1 : i32
    scf.for %scan3A_8 = %scan3A_3 to %scan3A_5 step %scan3A_6  : i32 {
      %mul3A_9 = arith.constant 128 : i32
      %mul3A_10 = arith.muli %scan3A_8, %mul3A_9 : i32
      %add3A_11 = arith.addi %mul3A_2, %mul3A_10 : i32
      %multiple_of3A = tpu.assume_multiple %add3A_11, 128 : i32
      "tpu.region"() ({
        %run_scoped3A = tpu.sem_alloc : memref<!tpu.dma_semaphore, #tpu.memory_space<semaphore_mem>>
        %dma_start3A_16 = tpu.memref_slice %arg3[%multiple_of3A] : memref<65536xi32, #tpu.memory_space<hbm>> -> memref<128xi32, #tpu.memory_space<hbm>>
        %dma_start3A_17 = tpu.memref_slice %arg3[%multiple_of3A] : memref<65536xi32, #tpu.memory_space<hbm>> -> memref<128xi32, #tpu.memory_space<hbm>>
        tpu.enqueue_dma source(%dma_start3A_17 : memref<128xi32, #tpu.memory_space<hbm>>) target(%arg5 : memref<128xi32, #tpu.memory_space<vmem>>) target_semaphore(%run_scoped3A : memref<!tpu.dma_semaphore, #tpu.memory_space<semaphore_mem>>)
        %dma_wait3A_18 = tpu.memref_slice %arg3[%multiple_of3A] : memref<65536xi32, #tpu.memory_space<hbm>> -> memref<128xi32, #tpu.memory_space<hbm>>
        %dma_wait3A_19 = tpu.memref_slice %arg3[%multiple_of3A] : memref<65536xi32, #tpu.memory_space<hbm>> -> memref<128xi32, #tpu.memory_space<hbm>>
        tpu.wait_dma2 semaphore(%run_scoped3A : memref<!tpu.dma_semaphore, #tpu.memory_space<semaphore_mem>>) src(%dma_wait3A_19 : memref<128xi32, #tpu.memory_space<hbm>>) dst(%arg5 : memref<128xi32, #tpu.memory_space<vmem>>)
        tpu.yield
      }) : () -> ()
      %dma_start3A = arith.constant 0 : i32
      %dma_start3A_12 = arith.constant 0 : i32
      %dma_start3A_13 = tpu.memref_slice %arg2[%dma_start3A, %dma_start3A_12] : memref<32768x128xf32, #tpu.memory_space<hbm>> -> memref<32768x128xf32, #tpu.memory_space<hbm>>
      tpu.enqueue_indirect_dma source(%dma_start3A_13 : memref<32768x128xf32, #tpu.memory_space<hbm>>) target(%arg6 : memref<128x128xf32, #tpu.memory_space<vmem>>) offsets(%arg5 : memref<128xi32, #tpu.memory_space<vmem>>) semaphore(%arg7 : memref<!tpu.dma_semaphore, #tpu.memory_space<semaphore_mem>>)
      %dma_wait3A = arith.constant 0 : i32
      %dma_wait3A_14 = arith.constant 0 : i32
      %dma_wait3A_15 = tpu.memref_slice %arg2[%dma_wait3A, %dma_wait3A_14] : memref<32768x128xf32, #tpu.memory_space<hbm>> -> memref<32768x128xf32, #tpu.memory_space<hbm>>
      tpu.wait_indirect_dma semaphore(%arg7 : memref<!tpu.dma_semaphore, #tpu.memory_space<semaphore_mem>>) src(%dma_wait3A_15 : memref<32768x128xf32, #tpu.memory_space<hbm>>) dst(%arg6 : memref<128x128xf32, #tpu.memory_space<vmem>>)
      "tpu.region"() ({
        %run_scoped3A = tpu.sem_alloc : memref<!tpu.dma_semaphore, #tpu.memory_space<semaphore_mem>>
        %dma_start3A_16 = arith.constant 0 : i32
        %dma_start3A_17 = tpu.memref_slice %arg4[%multiple_of3A, %dma_start3A_16] : memref<65536x128xf32, #tpu.memory_space<hbm>> -> memref<128x128xf32, #tpu.memory_space<hbm>>
        %dma_start3A_18 = arith.constant 0 : i32
        %dma_start3A_19 = tpu.memref_slice %arg4[%multiple_of3A, %dma_start3A_18] : memref<65536x128xf32, #tpu.memory_space<hbm>> -> memref<128x128xf32, #tpu.memory_space<hbm>>
        tpu.enqueue_dma source(%arg6 : memref<128x128xf32, #tpu.memory_space<vmem>>) target(%dma_start3A_19 : memref<128x128xf32, #tpu.memory_space<hbm>>) target_semaphore(%run_scoped3A : memref<!tpu.dma_semaphore, #tpu.memory_space<semaphore_mem>>)
        %dma_wait3A_20 = arith.constant 0 : i32
        %dma_wait3A_21 = tpu.memref_slice %arg4[%multiple_of3A, %dma_wait3A_20] : memref<65536x128xf32, #tpu.memory_space<hbm>> -> memref<128x128xf32, #tpu.memory_space<hbm>>
        %dma_wait3A_22 = arith.constant 0 : i32
        %dma_wait3A_23 = tpu.memref_slice %arg4[%multiple_of3A, %dma_wait3A_22] : memref<65536x128xf32, #tpu.memory_space<hbm>> -> memref<128x128xf32, #tpu.memory_space<hbm>>
        tpu.wait_dma2 semaphore(%run_scoped3A : memref<!tpu.dma_semaphore, #tpu.memory_space<semaphore_mem>>) src(%arg6 : memref<128x128xf32, #tpu.memory_space<vmem>>) dst(%dma_wait3A_23 : memref<128x128xf32, #tpu.memory_space<hbm>>)
        tpu.yield
      }) : () -> ()
    }
    %scan3A_7 = arith.constant 16 : i32
    return
  }
}

module attributes {stable_mosaic.version = 14 : i64} {
  func.func @_fps_body(%arg0: memref<8x4096xf32, #tpu.memory_space<vmem>>, %arg1: memref<8x4096xf32, #tpu.memory_space<vmem>>, %arg2: memref<8x4096xf32, #tpu.memory_space<vmem>>, %arg3: memref<8x512xf32, #tpu.memory_space<vmem>>, %arg4: memref<8x512xf32, #tpu.memory_space<vmem>>, %arg5: memref<8x512xf32, #tpu.memory_space<vmem>>) attributes {dimension_semantics = [], scalar_prefetch = 0 : i64, scratch_operands = 0 : i64, tpu.core_type = #tpu.core_type<tc>} {
    %get3A = arith.constant 0 : index
    %get3A_0 = arith.constant 0 : index
    %get3A_1 = vector.load %arg0[%get3A, %get3A_0] : memref<8x4096xf32, #tpu.memory_space<vmem>>, vector<8x4096xf32>
    %get3A_2 = arith.constant 0 : index
    %get3A_3 = arith.constant 0 : index
    %get3A_4 = vector.load %arg1[%get3A_2, %get3A_3] : memref<8x4096xf32, #tpu.memory_space<vmem>>, vector<8x4096xf32>
    %get3A_5 = arith.constant 0 : index
    %get3A_6 = arith.constant 0 : index
    %get3A_7 = vector.load %arg2[%get3A_5, %get3A_6] : memref<8x4096xf32, #tpu.memory_space<vmem>>, vector<8x4096xf32>
    %iota3A = tpu.iota {dimensions = array<i32: 1>} : vector<8x4096xi32>
    %iota3A_8 = tpu.iota {dimensions = array<i32: 1>} : vector<8x512xi32>
    %slice3A = vector.extract_strided_slice %get3A_1 {offsets = [0, 0], sizes = [8, 1], strides = [1, 1]} : vector<8x4096xf32> to vector<8x1xf32>
    %slice3A_9 = vector.extract_strided_slice %get3A_4 {offsets = [0, 0], sizes = [8, 1], strides = [1, 1]} : vector<8x4096xf32> to vector<8x1xf32>
    %slice3A_10 = vector.extract_strided_slice %get3A_7 {offsets = [0, 0], sizes = [8, 1], strides = [1, 1]} : vector<8x4096xf32> to vector<8x1xf32>
    %broadcast_in_dim3A = arith.constant 0.000000e+00 : f32
    %broadcast_in_dim3A_11 = vector.broadcast %broadcast_in_dim3A : f32 to vector<8x512xf32>
    %eq3A = arith.constant 0 : i32
    %eq3A_12 = vector.broadcast %eq3A : i32 to vector<8x512xi32>
    %eq3A_13 = arith.cmpi eq, %iota3A_8, %eq3A_12 : vector<8x512xi32>
    %broadcast_in_dim3A_14 = vector.shape_cast %slice3A : vector<8x1xf32> to vector<8x1xf32>
    %broadcast_in_dim3A_15 = vector.broadcast %broadcast_in_dim3A_14 : vector<8x1xf32> to vector<8x512xf32>
    %select_n3A = arith.select %eq3A_13, %broadcast_in_dim3A_15, %broadcast_in_dim3A_11 : vector<8x512xi1>, vector<8x512xf32>
    %eq3A_16 = arith.constant 0 : i32
    %eq3A_17 = vector.broadcast %eq3A_16 : i32 to vector<8x512xi32>
    %eq3A_18 = arith.cmpi eq, %iota3A_8, %eq3A_17 : vector<8x512xi32>
    %broadcast_in_dim3A_19 = vector.shape_cast %slice3A_9 : vector<8x1xf32> to vector<8x1xf32>
    %broadcast_in_dim3A_20 = vector.broadcast %broadcast_in_dim3A_19 : vector<8x1xf32> to vector<8x512xf32>
    %select_n3A_21 = arith.select %eq3A_18, %broadcast_in_dim3A_20, %broadcast_in_dim3A_11 : vector<8x512xi1>, vector<8x512xf32>
    %eq3A_22 = arith.constant 0 : i32
    %eq3A_23 = vector.broadcast %eq3A_22 : i32 to vector<8x512xi32>
    %eq3A_24 = arith.cmpi eq, %iota3A_8, %eq3A_23 : vector<8x512xi32>
    %broadcast_in_dim3A_25 = vector.shape_cast %slice3A_10 : vector<8x1xf32> to vector<8x1xf32>
    %broadcast_in_dim3A_26 = vector.broadcast %broadcast_in_dim3A_25 : vector<8x1xf32> to vector<8x512xf32>
    %select_n3A_27 = arith.select %eq3A_24, %broadcast_in_dim3A_26, %broadcast_in_dim3A_11 : vector<8x512xi1>, vector<8x512xf32>
    %broadcast_in_dim3A_28 = arith.constant 0x7F800000 : f32
    %broadcast_in_dim3A_29 = vector.broadcast %broadcast_in_dim3A_28 : f32 to vector<8x4096xf32>
    %scan3A = arith.constant 1 : i32
    %scan3A_30 = arith.constant 511 : i32
    %scan3A_31 = arith.addi %scan3A, %scan3A_30 : i32
    %scan3A_32 = arith.constant 1 : i32
    %scan3A_33:7 = scf.for %scan3A_43 = %scan3A to %scan3A_31 step %scan3A_32 iter_args(%scan3A_44 = %broadcast_in_dim3A_29, %scan3A_45 = %slice3A, %scan3A_46 = %slice3A_9, %scan3A_47 = %slice3A_10, %scan3A_48 = %select_n3A, %scan3A_49 = %select_n3A_21, %scan3A_50 = %select_n3A_27) -> (vector<8x4096xf32>, vector<8x1xf32>, vector<8x1xf32>, vector<8x1xf32>, vector<8x512xf32>, vector<8x512xf32>, vector<8x512xf32>)  : i32 {
      %sub3A = vector.broadcast %scan3A_45 : vector<8x1xf32> to vector<8x4096xf32>
      %sub3A_51 = arith.subf %get3A_1, %sub3A : vector<8x4096xf32>
      %integer_pow3A = arith.mulf %sub3A_51, %sub3A_51 : vector<8x4096xf32>
      %sub3A_52 = vector.broadcast %scan3A_46 : vector<8x1xf32> to vector<8x4096xf32>
      %sub3A_53 = arith.subf %get3A_4, %sub3A_52 : vector<8x4096xf32>
      %integer_pow3A_54 = arith.mulf %sub3A_53, %sub3A_53 : vector<8x4096xf32>
      %add3A = arith.addf %integer_pow3A, %integer_pow3A_54 : vector<8x4096xf32>
      %sub3A_55 = vector.broadcast %scan3A_47 : vector<8x1xf32> to vector<8x4096xf32>
      %sub3A_56 = arith.subf %get3A_7, %sub3A_55 : vector<8x4096xf32>
      %integer_pow3A_57 = arith.mulf %sub3A_56, %sub3A_56 : vector<8x4096xf32>
      %add3A_58 = arith.addf %add3A, %integer_pow3A_57 : vector<8x4096xf32>
      %min3A = arith.minimumf %scan3A_44, %add3A_58 : vector<8x4096xf32>
      %argmax3A = tpu.reduce_index %min3A {axis = 1 : i32, kind = #tpu.reduction_kind<arg_max>} : vector<8x4096xf32> -> vector<8xi32>
      %broadcast_in_dim3A_59 = vector.shape_cast %argmax3A : vector<8xi32> to vector<8x1xi32>
      %eq3A_60 = vector.broadcast %broadcast_in_dim3A_59 : vector<8x1xi32> to vector<8x4096xi32>
      %eq3A_61 = arith.cmpi eq, %iota3A, %eq3A_60 : vector<8x4096xi32>
      %jit3A = arith.constant 0.000000e+00 : f32
      %broadcast_in_dim3A_62 = vector.broadcast %jit3A : f32 to vector<8x4096xf32>
      %select_n3A_63 = arith.select %eq3A_61, %get3A_1, %broadcast_in_dim3A_62 : vector<8x4096xi1>, vector<8x4096xf32>
      %reduce_sum3A = arith.constant dense<0.000000e+00> : vector<8xf32>
      %reduce_sum3A_64 = vector.multi_reduction <add>, %select_n3A_63, %reduce_sum3A [1] : vector<8x4096xf32> to vector<8xf32>
      %broadcast_in_dim3A_65 = vector.shape_cast %reduce_sum3A_64 : vector<8xf32> to vector<8x1xf32>
      %jit3A_66 = arith.constant 0.000000e+00 : f32
      %broadcast_in_dim3A_67 = vector.broadcast %jit3A_66 : f32 to vector<8x4096xf32>
      %select_n3A_68 = arith.select %eq3A_61, %get3A_4, %broadcast_in_dim3A_67 : vector<8x4096xi1>, vector<8x4096xf32>
      %reduce_sum3A_69 = arith.constant dense<0.000000e+00> : vector<8xf32>
      %reduce_sum3A_70 = vector.multi_reduction <add>, %select_n3A_68, %reduce_sum3A_69 [1] : vector<8x4096xf32> to vector<8xf32>
      %broadcast_in_dim3A_71 = vector.shape_cast %reduce_sum3A_70 : vector<8xf32> to vector<8x1xf32>
      %jit3A_72 = arith.constant 0.000000e+00 : f32
      %broadcast_in_dim3A_73 = vector.broadcast %jit3A_72 : f32 to vector<8x4096xf32>
      %select_n3A_74 = arith.select %eq3A_61, %get3A_7, %broadcast_in_dim3A_73 : vector<8x4096xi1>, vector<8x4096xf32>
      %reduce_sum3A_75 = arith.constant dense<0.000000e+00> : vector<8xf32>
      %reduce_sum3A_76 = vector.multi_reduction <add>, %select_n3A_74, %reduce_sum3A_75 [1] : vector<8x4096xf32> to vector<8xf32>
      %broadcast_in_dim3A_77 = vector.shape_cast %reduce_sum3A_76 : vector<8xf32> to vector<8x1xf32>
      %eq3A_78 = vector.broadcast %scan3A_43 : i32 to vector<8x512xi32>
      %eq3A_79 = arith.cmpi eq, %iota3A_8, %eq3A_78 : vector<8x512xi32>
      %broadcast_in_dim3A_80 = vector.shape_cast %broadcast_in_dim3A_65 : vector<8x1xf32> to vector<8x1xf32>
      %broadcast_in_dim3A_81 = vector.broadcast %broadcast_in_dim3A_80 : vector<8x1xf32> to vector<8x512xf32>
      %select_n3A_82 = arith.select %eq3A_79, %broadcast_in_dim3A_81, %scan3A_48 : vector<8x512xi1>, vector<8x512xf32>
      %broadcast_in_dim3A_83 = vector.shape_cast %broadcast_in_dim3A_71 : vector<8x1xf32> to vector<8x1xf32>
      %broadcast_in_dim3A_84 = vector.broadcast %broadcast_in_dim3A_83 : vector<8x1xf32> to vector<8x512xf32>
      %select_n3A_85 = arith.select %eq3A_79, %broadcast_in_dim3A_84, %scan3A_49 : vector<8x512xi1>, vector<8x512xf32>
      %broadcast_in_dim3A_86 = vector.shape_cast %broadcast_in_dim3A_77 : vector<8x1xf32> to vector<8x1xf32>
      %broadcast_in_dim3A_87 = vector.broadcast %broadcast_in_dim3A_86 : vector<8x1xf32> to vector<8x512xf32>
      %select_n3A_88 = arith.select %eq3A_79, %broadcast_in_dim3A_87, %scan3A_50 : vector<8x512xi1>, vector<8x512xf32>
      scf.yield %min3A, %broadcast_in_dim3A_65, %broadcast_in_dim3A_71, %broadcast_in_dim3A_77, %select_n3A_82, %select_n3A_85, %select_n3A_88 : vector<8x4096xf32>, vector<8x1xf32>, vector<8x1xf32>, vector<8x1xf32>, vector<8x512xf32>, vector<8x512xf32>, vector<8x512xf32>
    }
    %scan3A_34 = arith.constant 511 : i32
    %swap3A = arith.constant 0 : index
    %swap3A_35 = arith.constant 0 : index
    %swap3A_36 = vector.load %arg3[%swap3A, %swap3A_35] : memref<8x512xf32, #tpu.memory_space<vmem>>, vector<8x512xf32>
    tpu.vector_store %arg3[%swap3A, %swap3A_35], %scan3A_33#4 {strides = array<i32>} : memref<8x512xf32, #tpu.memory_space<vmem>>, vector<8x512xf32>,
    %swap3A_37 = arith.constant 0 : index
    %swap3A_38 = arith.constant 0 : index
    %swap3A_39 = vector.load %arg4[%swap3A_37, %swap3A_38] : memref<8x512xf32, #tpu.memory_space<vmem>>, vector<8x512xf32>
    tpu.vector_store %arg4[%swap3A_37, %swap3A_38], %scan3A_33#5 {strides = array<i32>} : memref<8x512xf32, #tpu.memory_space<vmem>>, vector<8x512xf32>,
    %swap3A_40 = arith.constant 0 : index
    %swap3A_41 = arith.constant 0 : index
    %swap3A_42 = vector.load %arg5[%swap3A_40, %swap3A_41] : memref<8x512xf32, #tpu.memory_space<vmem>>, vector<8x512xf32>
    tpu.vector_store %arg5[%swap3A_40, %swap3A_41], %scan3A_33#6 {strides = array<i32>} : memref<8x512xf32, #tpu.memory_space<vmem>>, vector<8x512xf32>,
    return
  }
}

module attributes {stable_mosaic.version = 14 : i64} {
  func.func @_ball_body(%arg0: i32, %arg1: i32, %arg2: memref<8x4096xf32, #tpu.memory_space<vmem>>, %arg3: memref<8x4096xf32, #tpu.memory_space<vmem>>, %arg4: memref<8x4096xf32, #tpu.memory_space<vmem>>, %arg5: memref<512x8xf32, #tpu.memory_space<vmem>>, %arg6: memref<512x8xf32, #tpu.memory_space<vmem>>, %arg7: memref<512x8xf32, #tpu.memory_space<vmem>>, %arg8: memref<1x128x32xi32, #tpu.memory_space<vmem>>) attributes {dimension_semantics = [#tpu.dimension_semantics<arbitrary>, #tpu.dimension_semantics<arbitrary>], iteration_bounds = array<i64: 4, 4>, scalar_prefetch = 0 : i64, scratch_operands = 0 : i64, tpu.core_type = #tpu.core_type<tc>, window_params = [{pipeline_mode = #tpu.pipeline_mode<synchronous>, transform_indices = @transform_0, window_bounds = array<i64: 8, 4096>}, {pipeline_mode = #tpu.pipeline_mode<synchronous>, transform_indices = @transform_1, window_bounds = array<i64: 8, 4096>}, {pipeline_mode = #tpu.pipeline_mode<synchronous>, transform_indices = @transform_2, window_bounds = array<i64: 8, 4096>}, {pipeline_mode = #tpu.pipeline_mode<synchronous>, transform_indices = @transform_3, window_bounds = array<i64: 512, 8>}, {pipeline_mode = #tpu.pipeline_mode<synchronous>, transform_indices = @transform_4, window_bounds = array<i64: 512, 8>}, {pipeline_mode = #tpu.pipeline_mode<synchronous>, transform_indices = @transform_5, window_bounds = array<i64: 512, 8>}, {transform_indices = @transform_6, window_bounds = array<i64: 1, 128, 32>}]} {
    %add3A = arith.constant 0 : i32
    %add3A_0 = arith.addi %arg0, %add3A : i32
    %iota3A = tpu.iota {dimensions = array<i32: 0>} : vector<8x4096xi32>
    %eq3A = vector.broadcast %add3A_0 : i32 to vector<8x4096xi32>
    %eq3A_1 = arith.cmpi eq, %iota3A, %eq3A : vector<8x4096xi32>
    %get3A = arith.constant 0 : index
    %get3A_2 = arith.constant 0 : index
    %get3A_3 = vector.load %arg2[%get3A, %get3A_2] : memref<8x4096xf32, #tpu.memory_space<vmem>>, vector<8x4096xf32>
    %jit3A = arith.constant 0.000000e+00 : f32
    %broadcast_in_dim3A = vector.broadcast %jit3A : f32 to vector<8x4096xf32>
    %select_n3A = arith.select %eq3A_1, %get3A_3, %broadcast_in_dim3A : vector<8x4096xi1>, vector<8x4096xf32>
    %reduce_sum3A = arith.constant dense<0.000000e+00> : vector<4096xf32>
    %reduce_sum3A_4 = vector.multi_reduction <add>, %select_n3A, %reduce_sum3A [0] : vector<8x4096xf32> to vector<4096xf32>
    %broadcast_in_dim3A_5 = vector.shape_cast %reduce_sum3A_4 : vector<4096xf32> to vector<1x4096xf32>
    %get3A_6 = arith.constant 0 : index
    %get3A_7 = arith.constant 0 : index
    %get3A_8 = vector.load %arg3[%get3A_6, %get3A_7] : memref<8x4096xf32, #tpu.memory_space<vmem>>, vector<8x4096xf32>
    %jit3A_9 = arith.constant 0.000000e+00 : f32
    %broadcast_in_dim3A_10 = vector.broadcast %jit3A_9 : f32 to vector<8x4096xf32>
    %select_n3A_11 = arith.select %eq3A_1, %get3A_8, %broadcast_in_dim3A_10 : vector<8x4096xi1>, vector<8x4096xf32>
    %reduce_sum3A_12 = arith.constant dense<0.000000e+00> : vector<4096xf32>
    %reduce_sum3A_13 = vector.multi_reduction <add>, %select_n3A_11, %reduce_sum3A_12 [0] : vector<8x4096xf32> to vector<4096xf32>
    %broadcast_in_dim3A_14 = vector.shape_cast %reduce_sum3A_13 : vector<4096xf32> to vector<1x4096xf32>
    %get3A_15 = arith.constant 0 : index
    %get3A_16 = arith.constant 0 : index
    %get3A_17 = vector.load %arg4[%get3A_15, %get3A_16] : memref<8x4096xf32, #tpu.memory_space<vmem>>, vector<8x4096xf32>
    %jit3A_18 = arith.constant 0.000000e+00 : f32
    %broadcast_in_dim3A_19 = vector.broadcast %jit3A_18 : f32 to vector<8x4096xf32>
    %select_n3A_20 = arith.select %eq3A_1, %get3A_17, %broadcast_in_dim3A_19 : vector<8x4096xi1>, vector<8x4096xf32>
    %reduce_sum3A_21 = arith.constant dense<0.000000e+00> : vector<4096xf32>
    %reduce_sum3A_22 = vector.multi_reduction <add>, %select_n3A_20, %reduce_sum3A_21 [0] : vector<8x4096xf32> to vector<4096xf32>
    %broadcast_in_dim3A_23 = vector.shape_cast %reduce_sum3A_22 : vector<4096xf32> to vector<1x4096xf32>
    %mul3A = arith.constant 128 : i32
    %mul3A_24 = arith.muli %arg1, %mul3A : i32
    %iota3A_25 = tpu.iota {dimensions = array<i32: 1>} : vector<128x8xi32>
    %eq3A_26 = vector.broadcast %add3A_0 : i32 to vector<128x8xi32>
    %eq3A_27 = arith.cmpi eq, %iota3A_25, %eq3A_26 : vector<128x8xi32>
    %get3A_28 = arith.index_cast %mul3A_24 : i32 to index
    %get3A_29 = arith.constant 0 : index
    %get3A_30 = vector.load %arg5[%get3A_28, %get3A_29] : memref<512x8xf32, #tpu.memory_space<vmem>>, vector<128x8xf32>
    %jit3A_31 = arith.constant 0.000000e+00 : f32
    %broadcast_in_dim3A_32 = vector.broadcast %jit3A_31 : f32 to vector<128x8xf32>
    %select_n3A_33 = arith.select %eq3A_27, %get3A_30, %broadcast_in_dim3A_32 : vector<128x8xi1>, vector<128x8xf32>
    %reduce_sum3A_34 = arith.constant dense<0.000000e+00> : vector<128xf32>
    %reduce_sum3A_35 = vector.multi_reduction <add>, %select_n3A_33, %reduce_sum3A_34 [1] : vector<128x8xf32> to vector<128xf32>
    %broadcast_in_dim3A_36 = vector.shape_cast %reduce_sum3A_35 : vector<128xf32> to vector<128x1xf32>
    %get3A_37 = arith.index_cast %mul3A_24 : i32 to index
    %get3A_38 = arith.constant 0 : index
    %get3A_39 = vector.load %arg6[%get3A_37, %get3A_38] : memref<512x8xf32, #tpu.memory_space<vmem>>, vector<128x8xf32>
    %jit3A_40 = arith.constant 0.000000e+00 : f32
    %broadcast_in_dim3A_41 = vector.broadcast %jit3A_40 : f32 to vector<128x8xf32>
    %select_n3A_42 = arith.select %eq3A_27, %get3A_39, %broadcast_in_dim3A_41 : vector<128x8xi1>, vector<128x8xf32>
    %reduce_sum3A_43 = arith.constant dense<0.000000e+00> : vector<128xf32>
    %reduce_sum3A_44 = vector.multi_reduction <add>, %select_n3A_42, %reduce_sum3A_43 [1] : vector<128x8xf32> to vector<128xf32>
    %broadcast_in_dim3A_45 = vector.shape_cast %reduce_sum3A_44 : vector<128xf32> to vector<128x1xf32>
    %get3A_46 = arith.index_cast %mul3A_24 : i32 to index
    %get3A_47 = arith.constant 0 : index
    %get3A_48 = vector.load %arg7[%get3A_46, %get3A_47] : memref<512x8xf32, #tpu.memory_space<vmem>>, vector<128x8xf32>
    %jit3A_49 = arith.constant 0.000000e+00 : f32
    %broadcast_in_dim3A_50 = vector.broadcast %jit3A_49 : f32 to vector<128x8xf32>
    %select_n3A_51 = arith.select %eq3A_27, %get3A_48, %broadcast_in_dim3A_50 : vector<128x8xi1>, vector<128x8xf32>
    %reduce_sum3A_52 = arith.constant dense<0.000000e+00> : vector<128xf32>
    %reduce_sum3A_53 = vector.multi_reduction <add>, %select_n3A_51, %reduce_sum3A_52 [1] : vector<128x8xf32> to vector<128xf32>
    %broadcast_in_dim3A_54 = vector.shape_cast %reduce_sum3A_53 : vector<128xf32> to vector<128x1xf32>
    %mul3A_55 = arith.mulf %broadcast_in_dim3A_36, %broadcast_in_dim3A_36 : vector<128x1xf32>
    %mul3A_56 = arith.mulf %broadcast_in_dim3A_45, %broadcast_in_dim3A_45 : vector<128x1xf32>
    %add3A_57 = arith.addf %mul3A_55, %mul3A_56 : vector<128x1xf32>
    %mul3A_58 = arith.mulf %broadcast_in_dim3A_54, %broadcast_in_dim3A_54 : vector<128x1xf32>
    %add3A_59 = arith.addf %add3A_57, %mul3A_58 : vector<128x1xf32>
    %mul3A_60 = arith.mulf %broadcast_in_dim3A_5, %broadcast_in_dim3A_5 : vector<1x4096xf32>
    %mul3A_61 = arith.mulf %broadcast_in_dim3A_14, %broadcast_in_dim3A_14 : vector<1x4096xf32>
    %add3A_62 = arith.addf %mul3A_60, %mul3A_61 : vector<1x4096xf32>
    %mul3A_63 = arith.mulf %broadcast_in_dim3A_23, %broadcast_in_dim3A_23 : vector<1x4096xf32>
    %add3A_64 = arith.addf %add3A_62, %mul3A_63 : vector<1x4096xf32>
    %broadcast_in_dim3A_65 = arith.constant 0.000000e+00 : f32
    %broadcast_in_dim3A_66 = vector.broadcast %broadcast_in_dim3A_65 : f32 to vector<128x5xf32>
    %concatenate3A = tpu.concatenate %broadcast_in_dim3A_36, %broadcast_in_dim3A_45, %broadcast_in_dim3A_54, %broadcast_in_dim3A_66 in 1 : vector<128x1xf32>, vector<128x1xf32>, vector<128x1xf32>, vector<128x5xf32> -> vector<128x8xf32>
    %broadcast_in_dim3A_67 = arith.constant 0.000000e+00 : f32
    %broadcast_in_dim3A_68 = vector.broadcast %broadcast_in_dim3A_67 : f32 to vector<5x4096xf32>
    %concatenate3A_69 = tpu.concatenate %broadcast_in_dim3A_5, %broadcast_in_dim3A_14, %broadcast_in_dim3A_23, %broadcast_in_dim3A_68 in 0 : vector<1x4096xf32>, vector<1x4096xf32>, vector<1x4096xf32>, vector<5x4096xf32> -> vector<8x4096xf32>
    %dot_general3A = arith.constant dense<0.000000e+00> : vector<128x4096xf32>
    %dot_general3A_70 = tpu.matmul %concatenate3A, %concatenate3A_69, %dot_general3A {dimension_numbers = #tpu.dot_dimension_numbers<[1], [0], [0], [1], [0, 0, 1, 1], [], []>, transpose_lhs_hint = false} : vector<128x8xf32>, vector<8x4096xf32>, vector<128x4096xf32> -> vector<128x4096xf32>
    %add3A_71 = vector.broadcast %add3A_59 : vector<128x1xf32> to vector<128x4096xf32>
    %add3A_72 = vector.broadcast %add3A_64 : vector<1x4096xf32> to vector<128x4096xf32>
    %add3A_73 = arith.addf %add3A_71, %add3A_72 : vector<128x4096xf32>
    %mul3A_74 = arith.constant 2.000000e+00 : f32
    %mul3A_75 = vector.broadcast %mul3A_74 : f32 to vector<128x4096xf32>
    %mul3A_76 = arith.mulf %mul3A_75, %dot_general3A_70 : vector<128x4096xf32>
    %sub3A = arith.subf %add3A_73, %mul3A_76 : vector<128x4096xf32>
    %lt3A = arith.constant 6.250000e-02 : f32
    %lt3A_77 = vector.broadcast %lt3A : f32 to vector<128x4096xf32>
    %lt3A_78 = arith.cmpf olt, %sub3A, %lt3A_77 : vector<128x4096xf32>
    %iota3A_79 = tpu.iota {dimensions = array<i32: 1>} : vector<128x4096xi32>
    %convert_element_type3A = arith.sitofp %iota3A_79 : vector<128x4096xi32> to vector<128x4096xf32>
    %jit3A_80 = arith.constant 4.096000e+03 : f32
    %broadcast_in_dim3A_81 = vector.broadcast %jit3A_80 : f32 to vector<128x4096xf32>
    %select_n3A_82 = arith.select %lt3A_78, %convert_element_type3A, %broadcast_in_dim3A_81 : vector<128x4096xi1>, vector<128x4096xf32>
    %broadcast_in_dim3A_83 = arith.constant -1.000000e+00 : f32
    %broadcast_in_dim3A_84 = vector.broadcast %broadcast_in_dim3A_83 : f32 to vector<128x1xf32>
    %gt3A = vector.broadcast %broadcast_in_dim3A_84 : vector<128x1xf32> to vector<128x4096xf32>
    %gt3A_85 = arith.cmpf ogt, %select_n3A_82, %gt3A : vector<128x4096xf32>
    %jit3A_86 = arith.constant 4.096000e+03 : f32
    %broadcast_in_dim3A_87 = vector.broadcast %jit3A_86 : f32 to vector<128x4096xf32>
    %select_n3A_88 = arith.select %gt3A_85, %select_n3A_82, %broadcast_in_dim3A_87 : vector<128x4096xi1>, vector<128x4096xf32>
    %reduce_min3A = arith.constant dense<0x7F800000> : vector<128xf32>
    %reduce_min3A_89 = vector.multi_reduction <minimumf>, %select_n3A_88, %reduce_min3A [1] : vector<128x4096xf32> to vector<128xf32>
    %broadcast_in_dim3A_90 = vector.shape_cast %reduce_min3A_89 : vector<128xf32> to vector<128x1xf32>
    %lt3A_91 = arith.constant 4.096000e+03 : f32
    %lt3A_92 = vector.broadcast %lt3A_91 : f32 to vector<128x1xf32>
    %lt3A_93 = arith.cmpf olt, %broadcast_in_dim3A_90, %lt3A_92 : vector<128x1xf32>
    %jit3A_94 = arith.constant 0.000000e+00 : f32
    %broadcast_in_dim3A_95 = vector.broadcast %jit3A_94 : f32 to vector<128x1xf32>
    %select_n3A_96 = arith.select %lt3A_93, %broadcast_in_dim3A_90, %broadcast_in_dim3A_95 : vector<128x1xi1>, vector<128x1xf32>
    %select_n3A_97 = arith.select %lt3A_93, %broadcast_in_dim3A_90, %select_n3A_96 : vector<128x1xi1>, vector<128x1xf32>
    %gt3A_98 = vector.broadcast %broadcast_in_dim3A_90 : vector<128x1xf32> to vector<128x4096xf32>
    %gt3A_99 = arith.cmpf ogt, %select_n3A_82, %gt3A_98 : vector<128x4096xf32>
    %jit3A_100 = arith.constant 4.096000e+03 : f32
    %broadcast_in_dim3A_101 = vector.broadcast %jit3A_100 : f32 to vector<128x4096xf32>
    %select_n3A_102 = arith.select %gt3A_99, %select_n3A_82, %broadcast_in_dim3A_101 : vector<128x4096xi1>, vector<128x4096xf32>
    %reduce_min3A_103 = arith.constant dense<0x7F800000> : vector<128xf32>
    %reduce_min3A_104 = vector.multi_reduction <minimumf>, %select_n3A_102, %reduce_min3A_103 [1] : vector<128x4096xf32> to vector<128xf32>
    %broadcast_in_dim3A_105 = vector.shape_cast %reduce_min3A_104 : vector<128xf32> to vector<128x1xf32>
    %lt3A_106 = arith.constant 4.096000e+03 : f32
    %lt3A_107 = vector.broadcast %lt3A_106 : f32 to vector<128x1xf32>
    %lt3A_108 = arith.cmpf olt, %broadcast_in_dim3A_105, %lt3A_107 : vector<128x1xf32>
    %select_n3A_109 = arith.select %lt3A_108, %broadcast_in_dim3A_105, %select_n3A_96 : vector<128x1xi1>, vector<128x1xf32>
    %gt3A_110 = vector.broadcast %broadcast_in_dim3A_105 : vector<128x1xf32> to vector<128x4096xf32>
    %gt3A_111 = arith.cmpf ogt, %select_n3A_82, %gt3A_110 : vector<128x4096xf32>
    %jit3A_112 = arith.constant 4.096000e+03 : f32
    %broadcast_in_dim3A_113 = vector.broadcast %jit3A_112 : f32 to vector<128x4096xf32>
    %select_n3A_114 = arith.select %gt3A_111, %select_n3A_82, %broadcast_in_dim3A_113 : vector<128x4096xi1>, vector<128x4096xf32>
    %reduce_min3A_115 = arith.constant dense<0x7F800000> : vector<128xf32>
    %reduce_min3A_116 = vector.multi_reduction <minimumf>, %select_n3A_114, %reduce_min3A_115 [1] : vector<128x4096xf32> to vector<128xf32>
    %broadcast_in_dim3A_117 = vector.shape_cast %reduce_min3A_116 : vector<128xf32> to vector<128x1xf32>
    %lt3A_118 = arith.constant 4.096000e+03 : f32
    %lt3A_119 = vector.broadcast %lt3A_118 : f32 to vector<128x1xf32>
    %lt3A_120 = arith.cmpf olt, %broadcast_in_dim3A_117, %lt3A_119 : vector<128x1xf32>
    %select_n3A_121 = arith.select %lt3A_120, %broadcast_in_dim3A_117, %select_n3A_96 : vector<128x1xi1>, vector<128x1xf32>
    %gt3A_122 = vector.broadcast %broadcast_in_dim3A_117 : vector<128x1xf32> to vector<128x4096xf32>
    %gt3A_123 = arith.cmpf ogt, %select_n3A_82, %gt3A_122 : vector<128x4096xf32>
    %jit3A_124 = arith.constant 4.096000e+03 : f32
    %broadcast_in_dim3A_125 = vector.broadcast %jit3A_124 : f32 to vector<128x4096xf32>
    %select_n3A_126 = arith.select %gt3A_123, %select_n3A_82, %broadcast_in_dim3A_125 : vector<128x4096xi1>, vector<128x4096xf32>
    %reduce_min3A_127 = arith.constant dense<0x7F800000> : vector<128xf32>
    %reduce_min3A_128 = vector.multi_reduction <minimumf>, %select_n3A_126, %reduce_min3A_127 [1] : vector<128x4096xf32> to vector<128xf32>
    %broadcast_in_dim3A_129 = vector.shape_cast %reduce_min3A_128 : vector<128xf32> to vector<128x1xf32>
    %lt3A_130 = arith.constant 4.096000e+03 : f32
    %lt3A_131 = vector.broadcast %lt3A_130 : f32 to vector<128x1xf32>
    %lt3A_132 = arith.cmpf olt, %broadcast_in_dim3A_129, %lt3A_131 : vector<128x1xf32>
    %select_n3A_133 = arith.select %lt3A_132, %broadcast_in_dim3A_129, %select_n3A_96 : vector<128x1xi1>, vector<128x1xf32>
    %gt3A_134 = vector.broadcast %broadcast_in_dim3A_129 : vector<128x1xf32> to vector<128x4096xf32>
    %gt3A_135 = arith.cmpf ogt, %select_n3A_82, %gt3A_134 : vector<128x4096xf32>
    %jit3A_136 = arith.constant 4.096000e+03 : f32
    %broadcast_in_dim3A_137 = vector.broadcast %jit3A_136 : f32 to vector<128x4096xf32>
    %select_n3A_138 = arith.select %gt3A_135, %select_n3A_82, %broadcast_in_dim3A_137 : vector<128x4096xi1>, vector<128x4096xf32>
    %reduce_min3A_139 = arith.constant dense<0x7F800000> : vector<128xf32>
    %reduce_min3A_140 = vector.multi_reduction <minimumf>, %select_n3A_138, %reduce_min3A_139 [1] : vector<128x4096xf32> to vector<128xf32>
    %broadcast_in_dim3A_141 = vector.shape_cast %reduce_min3A_140 : vector<128xf32> to vector<128x1xf32>
    %lt3A_142 = arith.constant 4.096000e+03 : f32
    %lt3A_143 = vector.broadcast %lt3A_142 : f32 to vector<128x1xf32>
    %lt3A_144 = arith.cmpf olt, %broadcast_in_dim3A_141, %lt3A_143 : vector<128x1xf32>
    %select_n3A_145 = arith.select %lt3A_144, %broadcast_in_dim3A_141, %select_n3A_96 : vector<128x1xi1>, vector<128x1xf32>
    %gt3A_146 = vector.broadcast %broadcast_in_dim3A_141 : vector<128x1xf32> to vector<128x4096xf32>
    %gt3A_147 = arith.cmpf ogt, %select_n3A_82, %gt3A_146 : vector<128x4096xf32>
    %jit3A_148 = arith.constant 4.096000e+03 : f32
    %broadcast_in_dim3A_149 = vector.broadcast %jit3A_148 : f32 to vector<128x4096xf32>
    %select_n3A_150 = arith.select %gt3A_147, %select_n3A_82, %broadcast_in_dim3A_149 : vector<128x4096xi1>, vector<128x4096xf32>
    %reduce_min3A_151 = arith.constant dense<0x7F800000> : vector<128xf32>
    %reduce_min3A_152 = vector.multi_reduction <minimumf>, %select_n3A_150, %reduce_min3A_151 [1] : vector<128x4096xf32> to vector<128xf32>
    %broadcast_in_dim3A_153 = vector.shape_cast %reduce_min3A_152 : vector<128xf32> to vector<128x1xf32>
    %lt3A_154 = arith.constant 4.096000e+03 : f32
    %lt3A_155 = vector.broadcast %lt3A_154 : f32 to vector<128x1xf32>
    %lt3A_156 = arith.cmpf olt, %broadcast_in_dim3A_153, %lt3A_155 : vector<128x1xf32>
    %select_n3A_157 = arith.select %lt3A_156, %broadcast_in_dim3A_153, %select_n3A_96 : vector<128x1xi1>, vector<128x1xf32>
    %gt3A_158 = vector.broadcast %broadcast_in_dim3A_153 : vector<128x1xf32> to vector<128x4096xf32>
    %gt3A_159 = arith.cmpf ogt, %select_n3A_82, %gt3A_158 : vector<128x4096xf32>
    %jit3A_160 = arith.constant 4.096000e+03 : f32
    %broadcast_in_dim3A_161 = vector.broadcast %jit3A_160 : f32 to vector<128x4096xf32>
    %select_n3A_162 = arith.select %gt3A_159, %select_n3A_82, %broadcast_in_dim3A_161 : vector<128x4096xi1>, vector<128x4096xf32>
    %reduce_min3A_163 = arith.constant dense<0x7F800000> : vector<128xf32>
    %reduce_min3A_164 = vector.multi_reduction <minimumf>, %select_n3A_162, %reduce_min3A_163 [1] : vector<128x4096xf32> to vector<128xf32>
    %broadcast_in_dim3A_165 = vector.shape_cast %reduce_min3A_164 : vector<128xf32> to vector<128x1xf32>
    %lt3A_166 = arith.constant 4.096000e+03 : f32
    %lt3A_167 = vector.broadcast %lt3A_166 : f32 to vector<128x1xf32>
    %lt3A_168 = arith.cmpf olt, %broadcast_in_dim3A_165, %lt3A_167 : vector<128x1xf32>
    %select_n3A_169 = arith.select %lt3A_168, %broadcast_in_dim3A_165, %select_n3A_96 : vector<128x1xi1>, vector<128x1xf32>
    %gt3A_170 = vector.broadcast %broadcast_in_dim3A_165 : vector<128x1xf32> to vector<128x4096xf32>
    %gt3A_171 = arith.cmpf ogt, %select_n3A_82, %gt3A_170 : vector<128x4096xf32>
    %jit3A_172 = arith.constant 4.096000e+03 : f32
    %broadcast_in_dim3A_173 = vector.broadcast %jit3A_172 : f32 to vector<128x4096xf32>
    %select_n3A_174 = arith.select %gt3A_171, %select_n3A_82, %broadcast_in_dim3A_173 : vector<128x4096xi1>, vector<128x4096xf32>
    %reduce_min3A_175 = arith.constant dense<0x7F800000> : vector<128xf32>
    %reduce_min3A_176 = vector.multi_reduction <minimumf>, %select_n3A_174, %reduce_min3A_175 [1] : vector<128x4096xf32> to vector<128xf32>
    %broadcast_in_dim3A_177 = vector.shape_cast %reduce_min3A_176 : vector<128xf32> to vector<128x1xf32>
    %lt3A_178 = arith.constant 4.096000e+03 : f32
    %lt3A_179 = vector.broadcast %lt3A_178 : f32 to vector<128x1xf32>
    %lt3A_180 = arith.cmpf olt, %broadcast_in_dim3A_177, %lt3A_179 : vector<128x1xf32>
    %select_n3A_181 = arith.select %lt3A_180, %broadcast_in_dim3A_177, %select_n3A_96 : vector<128x1xi1>, vector<128x1xf32>
    %gt3A_182 = vector.broadcast %broadcast_in_dim3A_177 : vector<128x1xf32> to vector<128x4096xf32>
    %gt3A_183 = arith.cmpf ogt, %select_n3A_82, %gt3A_182 : vector<128x4096xf32>
    %jit3A_184 = arith.constant 4.096000e+03 : f32
    %broadcast_in_dim3A_185 = vector.broadcast %jit3A_184 : f32 to vector<128x4096xf32>
    %select_n3A_186 = arith.select %gt3A_183, %select_n3A_82, %broadcast_in_dim3A_185 : vector<128x4096xi1>, vector<128x4096xf32>
    %reduce_min3A_187 = arith.constant dense<0x7F800000> : vector<128xf32>
    %reduce_min3A_188 = vector.multi_reduction <minimumf>, %select_n3A_186, %reduce_min3A_187 [1] : vector<128x4096xf32> to vector<128xf32>
    %broadcast_in_dim3A_189 = vector.shape_cast %reduce_min3A_188 : vector<128xf32> to vector<128x1xf32>
    %lt3A_190 = arith.constant 4.096000e+03 : f32
    %lt3A_191 = vector.broadcast %lt3A_190 : f32 to vector<128x1xf32>
    %lt3A_192 = arith.cmpf olt, %broadcast_in_dim3A_189, %lt3A_191 : vector<128x1xf32>
    %select_n3A_193 = arith.select %lt3A_192, %broadcast_in_dim3A_189, %select_n3A_96 : vector<128x1xi1>, vector<128x1xf32>
    %gt3A_194 = vector.broadcast %broadcast_in_dim3A_189 : vector<128x1xf32> to vector<128x4096xf32>
    %gt3A_195 = arith.cmpf ogt, %select_n3A_82, %gt3A_194 : vector<128x4096xf32>
    %jit3A_196 = arith.constant 4.096000e+03 : f32
    %broadcast_in_dim3A_197 = vector.broadcast %jit3A_196 : f32 to vector<128x4096xf32>
    %select_n3A_198 = arith.select %gt3A_195, %select_n3A_82, %broadcast_in_dim3A_197 : vector<128x4096xi1>, vector<128x4096xf32>
    %reduce_min3A_199 = arith.constant dense<0x7F800000> : vector<128xf32>
    %reduce_min3A_200 = vector.multi_reduction <minimumf>, %select_n3A_198, %reduce_min3A_199 [1] : vector<128x4096xf32> to vector<128xf32>
    %broadcast_in_dim3A_201 = vector.shape_cast %reduce_min3A_200 : vector<128xf32> to vector<128x1xf32>
    %lt3A_202 = arith.constant 4.096000e+03 : f32
    %lt3A_203 = vector.broadcast %lt3A_202 : f32 to vector<128x1xf32>
    %lt3A_204 = arith.cmpf olt, %broadcast_in_dim3A_201, %lt3A_203 : vector<128x1xf32>
    %select_n3A_205 = arith.select %lt3A_204, %broadcast_in_dim3A_201, %select_n3A_96 : vector<128x1xi1>, vector<128x1xf32>
    %gt3A_206 = vector.broadcast %broadcast_in_dim3A_201 : vector<128x1xf32> to vector<128x4096xf32>
    %gt3A_207 = arith.cmpf ogt, %select_n3A_82, %gt3A_206 : vector<128x4096xf32>
    %jit3A_208 = arith.constant 4.096000e+03 : f32
    %broadcast_in_dim3A_209 = vector.broadcast %jit3A_208 : f32 to vector<128x4096xf32>
    %select_n3A_210 = arith.select %gt3A_207, %select_n3A_82, %broadcast_in_dim3A_209 : vector<128x4096xi1>, vector<128x4096xf32>
    %reduce_min3A_211 = arith.constant dense<0x7F800000> : vector<128xf32>
    %reduce_min3A_212 = vector.multi_reduction <minimumf>, %select_n3A_210, %reduce_min3A_211 [1] : vector<128x4096xf32> to vector<128xf32>
    %broadcast_in_dim3A_213 = vector.shape_cast %reduce_min3A_212 : vector<128xf32> to vector<128x1xf32>
    %lt3A_214 = arith.constant 4.096000e+03 : f32
    %lt3A_215 = vector.broadcast %lt3A_214 : f32 to vector<128x1xf32>
    %lt3A_216 = arith.cmpf olt, %broadcast_in_dim3A_213, %lt3A_215 : vector<128x1xf32>
    %select_n3A_217 = arith.select %lt3A_216, %broadcast_in_dim3A_213, %select_n3A_96 : vector<128x1xi1>, vector<128x1xf32>
    %gt3A_218 = vector.broadcast %broadcast_in_dim3A_213 : vector<128x1xf32> to vector<128x4096xf32>
    %gt3A_219 = arith.cmpf ogt, %select_n3A_82, %gt3A_218 : vector<128x4096xf32>
    %jit3A_220 = arith.constant 4.096000e+03 : f32
    %broadcast_in_dim3A_221 = vector.broadcast %jit3A_220 : f32 to vector<128x4096xf32>
    %select_n3A_222 = arith.select %gt3A_219, %select_n3A_82, %broadcast_in_dim3A_221 : vector<128x4096xi1>, vector<128x4096xf32>
    %reduce_min3A_223 = arith.constant dense<0x7F800000> : vector<128xf32>
    %reduce_min3A_224 = vector.multi_reduction <minimumf>, %select_n3A_222, %reduce_min3A_223 [1] : vector<128x4096xf32> to vector<128xf32>
    %broadcast_in_dim3A_225 = vector.shape_cast %reduce_min3A_224 : vector<128xf32> to vector<128x1xf32>
    %lt3A_226 = arith.constant 4.096000e+03 : f32
    %lt3A_227 = vector.broadcast %lt3A_226 : f32 to vector<128x1xf32>
    %lt3A_228 = arith.cmpf olt, %broadcast_in_dim3A_225, %lt3A_227 : vector<128x1xf32>
    %select_n3A_229 = arith.select %lt3A_228, %broadcast_in_dim3A_225, %select_n3A_96 : vector<128x1xi1>, vector<128x1xf32>
    %gt3A_230 = vector.broadcast %broadcast_in_dim3A_225 : vector<128x1xf32> to vector<128x4096xf32>
    %gt3A_231 = arith.cmpf ogt, %select_n3A_82, %gt3A_230 : vector<128x4096xf32>
    %jit3A_232 = arith.constant 4.096000e+03 : f32
    %broadcast_in_dim3A_233 = vector.broadcast %jit3A_232 : f32 to vector<128x4096xf32>
    %select_n3A_234 = arith.select %gt3A_231, %select_n3A_82, %broadcast_in_dim3A_233 : vector<128x4096xi1>, vector<128x4096xf32>
    %reduce_min3A_235 = arith.constant dense<0x7F800000> : vector<128xf32>
    %reduce_min3A_236 = vector.multi_reduction <minimumf>, %select_n3A_234, %reduce_min3A_235 [1] : vector<128x4096xf32> to vector<128xf32>
    %broadcast_in_dim3A_237 = vector.shape_cast %reduce_min3A_236 : vector<128xf32> to vector<128x1xf32>
    %lt3A_238 = arith.constant 4.096000e+03 : f32
    %lt3A_239 = vector.broadcast %lt3A_238 : f32 to vector<128x1xf32>
    %lt3A_240 = arith.cmpf olt, %broadcast_in_dim3A_237, %lt3A_239 : vector<128x1xf32>
    %select_n3A_241 = arith.select %lt3A_240, %broadcast_in_dim3A_237, %select_n3A_96 : vector<128x1xi1>, vector<128x1xf32>
    %gt3A_242 = vector.broadcast %broadcast_in_dim3A_237 : vector<128x1xf32> to vector<128x4096xf32>
    %gt3A_243 = arith.cmpf ogt, %select_n3A_82, %gt3A_242 : vector<128x4096xf32>
    %jit3A_244 = arith.constant 4.096000e+03 : f32
    %broadcast_in_dim3A_245 = vector.broadcast %jit3A_244 : f32 to vector<128x4096xf32>
    %select_n3A_246 = arith.select %gt3A_243, %select_n3A_82, %broadcast_in_dim3A_245 : vector<128x4096xi1>, vector<128x4096xf32>
    %reduce_min3A_247 = arith.constant dense<0x7F800000> : vector<128xf32>
    %reduce_min3A_248 = vector.multi_reduction <minimumf>, %select_n3A_246, %reduce_min3A_247 [1] : vector<128x4096xf32> to vector<128xf32>
    %broadcast_in_dim3A_249 = vector.shape_cast %reduce_min3A_248 : vector<128xf32> to vector<128x1xf32>
    %lt3A_250 = arith.constant 4.096000e+03 : f32
    %lt3A_251 = vector.broadcast %lt3A_250 : f32 to vector<128x1xf32>
    %lt3A_252 = arith.cmpf olt, %broadcast_in_dim3A_249, %lt3A_251 : vector<128x1xf32>
    %select_n3A_253 = arith.select %lt3A_252, %broadcast_in_dim3A_249, %select_n3A_96 : vector<128x1xi1>, vector<128x1xf32>
    %gt3A_254 = vector.broadcast %broadcast_in_dim3A_249 : vector<128x1xf32> to vector<128x4096xf32>
    %gt3A_255 = arith.cmpf ogt, %select_n3A_82, %gt3A_254 : vector<128x4096xf32>
    %jit3A_256 = arith.constant 4.096000e+03 : f32
    %broadcast_in_dim3A_257 = vector.broadcast %jit3A_256 : f32 to vector<128x4096xf32>
    %select_n3A_258 = arith.select %gt3A_255, %select_n3A_82, %broadcast_in_dim3A_257 : vector<128x4096xi1>, vector<128x4096xf32>
    %reduce_min3A_259 = arith.constant dense<0x7F800000> : vector<128xf32>
    %reduce_min3A_260 = vector.multi_reduction <minimumf>, %select_n3A_258, %reduce_min3A_259 [1] : vector<128x4096xf32> to vector<128xf32>
    %broadcast_in_dim3A_261 = vector.shape_cast %reduce_min3A_260 : vector<128xf32> to vector<128x1xf32>
    %lt3A_262 = arith.constant 4.096000e+03 : f32
    %lt3A_263 = vector.broadcast %lt3A_262 : f32 to vector<128x1xf32>
    %lt3A_264 = arith.cmpf olt, %broadcast_in_dim3A_261, %lt3A_263 : vector<128x1xf32>
    %select_n3A_265 = arith.select %lt3A_264, %broadcast_in_dim3A_261, %select_n3A_96 : vector<128x1xi1>, vector<128x1xf32>
    %gt3A_266 = vector.broadcast %broadcast_in_dim3A_261 : vector<128x1xf32> to vector<128x4096xf32>
    %gt3A_267 = arith.cmpf ogt, %select_n3A_82, %gt3A_266 : vector<128x4096xf32>
    %jit3A_268 = arith.constant 4.096000e+03 : f32
    %broadcast_in_dim3A_269 = vector.broadcast %jit3A_268 : f32 to vector<128x4096xf32>
    %select_n3A_270 = arith.select %gt3A_267, %select_n3A_82, %broadcast_in_dim3A_269 : vector<128x4096xi1>, vector<128x4096xf32>
    %reduce_min3A_271 = arith.constant dense<0x7F800000> : vector<128xf32>
    %reduce_min3A_272 = vector.multi_reduction <minimumf>, %select_n3A_270, %reduce_min3A_271 [1] : vector<128x4096xf32> to vector<128xf32>
    %broadcast_in_dim3A_273 = vector.shape_cast %reduce_min3A_272 : vector<128xf32> to vector<128x1xf32>
    %lt3A_274 = arith.constant 4.096000e+03 : f32
    %lt3A_275 = vector.broadcast %lt3A_274 : f32 to vector<128x1xf32>
    %lt3A_276 = arith.cmpf olt, %broadcast_in_dim3A_273, %lt3A_275 : vector<128x1xf32>
    %select_n3A_277 = arith.select %lt3A_276, %broadcast_in_dim3A_273, %select_n3A_96 : vector<128x1xi1>, vector<128x1xf32>
    %gt3A_278 = vector.broadcast %broadcast_in_dim3A_273 : vector<128x1xf32> to vector<128x4096xf32>
    %gt3A_279 = arith.cmpf ogt, %select_n3A_82, %gt3A_278 : vector<128x4096xf32>
    %jit3A_280 = arith.constant 4.096000e+03 : f32
    %broadcast_in_dim3A_281 = vector.broadcast %jit3A_280 : f32 to vector<128x4096xf32>
    %select_n3A_282 = arith.select %gt3A_279, %select_n3A_82, %broadcast_in_dim3A_281 : vector<128x4096xi1>, vector<128x4096xf32>
    %reduce_min3A_283 = arith.constant dense<0x7F800000> : vector<128xf32>
    %reduce_min3A_284 = vector.multi_reduction <minimumf>, %select_n3A_282, %reduce_min3A_283 [1] : vector<128x4096xf32> to vector<128xf32>
    %broadcast_in_dim3A_285 = vector.shape_cast %reduce_min3A_284 : vector<128xf32> to vector<128x1xf32>
    %lt3A_286 = arith.constant 4.096000e+03 : f32
    %lt3A_287 = vector.broadcast %lt3A_286 : f32 to vector<128x1xf32>
    %lt3A_288 = arith.cmpf olt, %broadcast_in_dim3A_285, %lt3A_287 : vector<128x1xf32>
    %select_n3A_289 = arith.select %lt3A_288, %broadcast_in_dim3A_285, %select_n3A_96 : vector<128x1xi1>, vector<128x1xf32>
    %gt3A_290 = vector.broadcast %broadcast_in_dim3A_285 : vector<128x1xf32> to vector<128x4096xf32>
    %gt3A_291 = arith.cmpf ogt, %select_n3A_82, %gt3A_290 : vector<128x4096xf32>
    %jit3A_292 = arith.constant 4.096000e+03 : f32
    %broadcast_in_dim3A_293 = vector.broadcast %jit3A_292 : f32 to vector<128x4096xf32>
    %select_n3A_294 = arith.select %gt3A_291, %select_n3A_82, %broadcast_in_dim3A_293 : vector<128x4096xi1>, vector<128x4096xf32>
    %reduce_min3A_295 = arith.constant dense<0x7F800000> : vector<128xf32>
    %reduce_min3A_296 = vector.multi_reduction <minimumf>, %select_n3A_294, %reduce_min3A_295 [1] : vector<128x4096xf32> to vector<128xf32>
    %broadcast_in_dim3A_297 = vector.shape_cast %reduce_min3A_296 : vector<128xf32> to vector<128x1xf32>
    %lt3A_298 = arith.constant 4.096000e+03 : f32
    %lt3A_299 = vector.broadcast %lt3A_298 : f32 to vector<128x1xf32>
    %lt3A_300 = arith.cmpf olt, %broadcast_in_dim3A_297, %lt3A_299 : vector<128x1xf32>
    %select_n3A_301 = arith.select %lt3A_300, %broadcast_in_dim3A_297, %select_n3A_96 : vector<128x1xi1>, vector<128x1xf32>
    %gt3A_302 = vector.broadcast %broadcast_in_dim3A_297 : vector<128x1xf32> to vector<128x4096xf32>
    %gt3A_303 = arith.cmpf ogt, %select_n3A_82, %gt3A_302 : vector<128x4096xf32>
    %jit3A_304 = arith.constant 4.096000e+03 : f32
    %broadcast_in_dim3A_305 = vector.broadcast %jit3A_304 : f32 to vector<128x4096xf32>
    %select_n3A_306 = arith.select %gt3A_303, %select_n3A_82, %broadcast_in_dim3A_305 : vector<128x4096xi1>, vector<128x4096xf32>
    %reduce_min3A_307 = arith.constant dense<0x7F800000> : vector<128xf32>
    %reduce_min3A_308 = vector.multi_reduction <minimumf>, %select_n3A_306, %reduce_min3A_307 [1] : vector<128x4096xf32> to vector<128xf32>
    %broadcast_in_dim3A_309 = vector.shape_cast %reduce_min3A_308 : vector<128xf32> to vector<128x1xf32>
    %lt3A_310 = arith.constant 4.096000e+03 : f32
    %lt3A_311 = vector.broadcast %lt3A_310 : f32 to vector<128x1xf32>
    %lt3A_312 = arith.cmpf olt, %broadcast_in_dim3A_309, %lt3A_311 : vector<128x1xf32>
    %select_n3A_313 = arith.select %lt3A_312, %broadcast_in_dim3A_309, %select_n3A_96 : vector<128x1xi1>, vector<128x1xf32>
    %gt3A_314 = vector.broadcast %broadcast_in_dim3A_309 : vector<128x1xf32> to vector<128x4096xf32>
    %gt3A_315 = arith.cmpf ogt, %select_n3A_82, %gt3A_314 : vector<128x4096xf32>
    %jit3A_316 = arith.constant 4.096000e+03 : f32
    %broadcast_in_dim3A_317 = vector.broadcast %jit3A_316 : f32 to vector<128x4096xf32>
    %select_n3A_318 = arith.select %gt3A_315, %select_n3A_82, %broadcast_in_dim3A_317 : vector<128x4096xi1>, vector<128x4096xf32>
    %reduce_min3A_319 = arith.constant dense<0x7F800000> : vector<128xf32>
    %reduce_min3A_320 = vector.multi_reduction <minimumf>, %select_n3A_318, %reduce_min3A_319 [1] : vector<128x4096xf32> to vector<128xf32>
    %broadcast_in_dim3A_321 = vector.shape_cast %reduce_min3A_320 : vector<128xf32> to vector<128x1xf32>
    %lt3A_322 = arith.constant 4.096000e+03 : f32
    %lt3A_323 = vector.broadcast %lt3A_322 : f32 to vector<128x1xf32>
    %lt3A_324 = arith.cmpf olt, %broadcast_in_dim3A_321, %lt3A_323 : vector<128x1xf32>
    %select_n3A_325 = arith.select %lt3A_324, %broadcast_in_dim3A_321, %select_n3A_96 : vector<128x1xi1>, vector<128x1xf32>
    %gt3A_326 = vector.broadcast %broadcast_in_dim3A_321 : vector<128x1xf32> to vector<128x4096xf32>
    %gt3A_327 = arith.cmpf ogt, %select_n3A_82, %gt3A_326 : vector<128x4096xf32>
    %jit3A_328 = arith.constant 4.096000e+03 : f32
    %broadcast_in_dim3A_329 = vector.broadcast %jit3A_328 : f32 to vector<128x4096xf32>
    %select_n3A_330 = arith.select %gt3A_327, %select_n3A_82, %broadcast_in_dim3A_329 : vector<128x4096xi1>, vector<128x4096xf32>
    %reduce_min3A_331 = arith.constant dense<0x7F800000> : vector<128xf32>
    %reduce_min3A_332 = vector.multi_reduction <minimumf>, %select_n3A_330, %reduce_min3A_331 [1] : vector<128x4096xf32> to vector<128xf32>
    %broadcast_in_dim3A_333 = vector.shape_cast %reduce_min3A_332 : vector<128xf32> to vector<128x1xf32>
    %lt3A_334 = arith.constant 4.096000e+03 : f32
    %lt3A_335 = vector.broadcast %lt3A_334 : f32 to vector<128x1xf32>
    %lt3A_336 = arith.cmpf olt, %broadcast_in_dim3A_333, %lt3A_335 : vector<128x1xf32>
    %select_n3A_337 = arith.select %lt3A_336, %broadcast_in_dim3A_333, %select_n3A_96 : vector<128x1xi1>, vector<128x1xf32>
    %gt3A_338 = vector.broadcast %broadcast_in_dim3A_333 : vector<128x1xf32> to vector<128x4096xf32>
    %gt3A_339 = arith.cmpf ogt, %select_n3A_82, %gt3A_338 : vector<128x4096xf32>
    %jit3A_340 = arith.constant 4.096000e+03 : f32
    %broadcast_in_dim3A_341 = vector.broadcast %jit3A_340 : f32 to vector<128x4096xf32>
    %select_n3A_342 = arith.select %gt3A_339, %select_n3A_82, %broadcast_in_dim3A_341 : vector<128x4096xi1>, vector<128x4096xf32>
    %reduce_min3A_343 = arith.constant dense<0x7F800000> : vector<128xf32>
    %reduce_min3A_344 = vector.multi_reduction <minimumf>, %select_n3A_342, %reduce_min3A_343 [1] : vector<128x4096xf32> to vector<128xf32>
    %broadcast_in_dim3A_345 = vector.shape_cast %reduce_min3A_344 : vector<128xf32> to vector<128x1xf32>
    %lt3A_346 = arith.constant 4.096000e+03 : f32
    %lt3A_347 = vector.broadcast %lt3A_346 : f32 to vector<128x1xf32>
    %lt3A_348 = arith.cmpf olt, %broadcast_in_dim3A_345, %lt3A_347 : vector<128x1xf32>
    %select_n3A_349 = arith.select %lt3A_348, %broadcast_in_dim3A_345, %select_n3A_96 : vector<128x1xi1>, vector<128x1xf32>
    %gt3A_350 = vector.broadcast %broadcast_in_dim3A_345 : vector<128x1xf32> to vector<128x4096xf32>
    %gt3A_351 = arith.cmpf ogt, %select_n3A_82, %gt3A_350 : vector<128x4096xf32>
    %jit3A_352 = arith.constant 4.096000e+03 : f32
    %broadcast_in_dim3A_353 = vector.broadcast %jit3A_352 : f32 to vector<128x4096xf32>
    %select_n3A_354 = arith.select %gt3A_351, %select_n3A_82, %broadcast_in_dim3A_353 : vector<128x4096xi1>, vector<128x4096xf32>
    %reduce_min3A_355 = arith.constant dense<0x7F800000> : vector<128xf32>
    %reduce_min3A_356 = vector.multi_reduction <minimumf>, %select_n3A_354, %reduce_min3A_355 [1] : vector<128x4096xf32> to vector<128xf32>
    %broadcast_in_dim3A_357 = vector.shape_cast %reduce_min3A_356 : vector<128xf32> to vector<128x1xf32>
    %lt3A_358 = arith.constant 4.096000e+03 : f32
    %lt3A_359 = vector.broadcast %lt3A_358 : f32 to vector<128x1xf32>
    %lt3A_360 = arith.cmpf olt, %broadcast_in_dim3A_357, %lt3A_359 : vector<128x1xf32>
    %select_n3A_361 = arith.select %lt3A_360, %broadcast_in_dim3A_357, %select_n3A_96 : vector<128x1xi1>, vector<128x1xf32>
    %gt3A_362 = vector.broadcast %broadcast_in_dim3A_357 : vector<128x1xf32> to vector<128x4096xf32>
    %gt3A_363 = arith.cmpf ogt, %select_n3A_82, %gt3A_362 : vector<128x4096xf32>
    %jit3A_364 = arith.constant 4.096000e+03 : f32
    %broadcast_in_dim3A_365 = vector.broadcast %jit3A_364 : f32 to vector<128x4096xf32>
    %select_n3A_366 = arith.select %gt3A_363, %select_n3A_82, %broadcast_in_dim3A_365 : vector<128x4096xi1>, vector<128x4096xf32>
    %reduce_min3A_367 = arith.constant dense<0x7F800000> : vector<128xf32>
    %reduce_min3A_368 = vector.multi_reduction <minimumf>, %select_n3A_366, %reduce_min3A_367 [1] : vector<128x4096xf32> to vector<128xf32>
    %broadcast_in_dim3A_369 = vector.shape_cast %reduce_min3A_368 : vector<128xf32> to vector<128x1xf32>
    %lt3A_370 = arith.constant 4.096000e+03 : f32
    %lt3A_371 = vector.broadcast %lt3A_370 : f32 to vector<128x1xf32>
    %lt3A_372 = arith.cmpf olt, %broadcast_in_dim3A_369, %lt3A_371 : vector<128x1xf32>
    %select_n3A_373 = arith.select %lt3A_372, %broadcast_in_dim3A_369, %select_n3A_96 : vector<128x1xi1>, vector<128x1xf32>
    %gt3A_374 = vector.broadcast %broadcast_in_dim3A_369 : vector<128x1xf32> to vector<128x4096xf32>
    %gt3A_375 = arith.cmpf ogt, %select_n3A_82, %gt3A_374 : vector<128x4096xf32>
    %jit3A_376 = arith.constant 4.096000e+03 : f32
    %broadcast_in_dim3A_377 = vector.broadcast %jit3A_376 : f32 to vector<128x4096xf32>
    %select_n3A_378 = arith.select %gt3A_375, %select_n3A_82, %broadcast_in_dim3A_377 : vector<128x4096xi1>, vector<128x4096xf32>
    %reduce_min3A_379 = arith.constant dense<0x7F800000> : vector<128xf32>
    %reduce_min3A_380 = vector.multi_reduction <minimumf>, %select_n3A_378, %reduce_min3A_379 [1] : vector<128x4096xf32> to vector<128xf32>
    %broadcast_in_dim3A_381 = vector.shape_cast %reduce_min3A_380 : vector<128xf32> to vector<128x1xf32>
    %lt3A_382 = arith.constant 4.096000e+03 : f32
    %lt3A_383 = vector.broadcast %lt3A_382 : f32 to vector<128x1xf32>
    %lt3A_384 = arith.cmpf olt, %broadcast_in_dim3A_381, %lt3A_383 : vector<128x1xf32>
    %select_n3A_385 = arith.select %lt3A_384, %broadcast_in_dim3A_381, %select_n3A_96 : vector<128x1xi1>, vector<128x1xf32>
    %gt3A_386 = vector.broadcast %broadcast_in_dim3A_381 : vector<128x1xf32> to vector<128x4096xf32>
    %gt3A_387 = arith.cmpf ogt, %select_n3A_82, %gt3A_386 : vector<128x4096xf32>
    %jit3A_388 = arith.constant 4.096000e+03 : f32
    %broadcast_in_dim3A_389 = vector.broadcast %jit3A_388 : f32 to vector<128x4096xf32>
    %select_n3A_390 = arith.select %gt3A_387, %select_n3A_82, %broadcast_in_dim3A_389 : vector<128x4096xi1>, vector<128x4096xf32>
    %reduce_min3A_391 = arith.constant dense<0x7F800000> : vector<128xf32>
    %reduce_min3A_392 = vector.multi_reduction <minimumf>, %select_n3A_390, %reduce_min3A_391 [1] : vector<128x4096xf32> to vector<128xf32>
    %broadcast_in_dim3A_393 = vector.shape_cast %reduce_min3A_392 : vector<128xf32> to vector<128x1xf32>
    %lt3A_394 = arith.constant 4.096000e+03 : f32
    %lt3A_395 = vector.broadcast %lt3A_394 : f32 to vector<128x1xf32>
    %lt3A_396 = arith.cmpf olt, %broadcast_in_dim3A_393, %lt3A_395 : vector<128x1xf32>
    %select_n3A_397 = arith.select %lt3A_396, %broadcast_in_dim3A_393, %select_n3A_96 : vector<128x1xi1>, vector<128x1xf32>
    %gt3A_398 = vector.broadcast %broadcast_in_dim3A_393 : vector<128x1xf32> to vector<128x4096xf32>
    %gt3A_399 = arith.cmpf ogt, %select_n3A_82, %gt3A_398 : vector<128x4096xf32>
    %jit3A_400 = arith.constant 4.096000e+03 : f32
    %broadcast_in_dim3A_401 = vector.broadcast %jit3A_400 : f32 to vector<128x4096xf32>
    %select_n3A_402 = arith.select %gt3A_399, %select_n3A_82, %broadcast_in_dim3A_401 : vector<128x4096xi1>, vector<128x4096xf32>
    %reduce_min3A_403 = arith.constant dense<0x7F800000> : vector<128xf32>
    %reduce_min3A_404 = vector.multi_reduction <minimumf>, %select_n3A_402, %reduce_min3A_403 [1] : vector<128x4096xf32> to vector<128xf32>
    %broadcast_in_dim3A_405 = vector.shape_cast %reduce_min3A_404 : vector<128xf32> to vector<128x1xf32>
    %lt3A_406 = arith.constant 4.096000e+03 : f32
    %lt3A_407 = vector.broadcast %lt3A_406 : f32 to vector<128x1xf32>
    %lt3A_408 = arith.cmpf olt, %broadcast_in_dim3A_405, %lt3A_407 : vector<128x1xf32>
    %select_n3A_409 = arith.select %lt3A_408, %broadcast_in_dim3A_405, %select_n3A_96 : vector<128x1xi1>, vector<128x1xf32>
    %gt3A_410 = vector.broadcast %broadcast_in_dim3A_405 : vector<128x1xf32> to vector<128x4096xf32>
    %gt3A_411 = arith.cmpf ogt, %select_n3A_82, %gt3A_410 : vector<128x4096xf32>
    %jit3A_412 = arith.constant 4.096000e+03 : f32
    %broadcast_in_dim3A_413 = vector.broadcast %jit3A_412 : f32 to vector<128x4096xf32>
    %select_n3A_414 = arith.select %gt3A_411, %select_n3A_82, %broadcast_in_dim3A_413 : vector<128x4096xi1>, vector<128x4096xf32>
    %reduce_min3A_415 = arith.constant dense<0x7F800000> : vector<128xf32>
    %reduce_min3A_416 = vector.multi_reduction <minimumf>, %select_n3A_414, %reduce_min3A_415 [1] : vector<128x4096xf32> to vector<128xf32>
    %broadcast_in_dim3A_417 = vector.shape_cast %reduce_min3A_416 : vector<128xf32> to vector<128x1xf32>
    %lt3A_418 = arith.constant 4.096000e+03 : f32
    %lt3A_419 = vector.broadcast %lt3A_418 : f32 to vector<128x1xf32>
    %lt3A_420 = arith.cmpf olt, %broadcast_in_dim3A_417, %lt3A_419 : vector<128x1xf32>
    %select_n3A_421 = arith.select %lt3A_420, %broadcast_in_dim3A_417, %select_n3A_96 : vector<128x1xi1>, vector<128x1xf32>
    %gt3A_422 = vector.broadcast %broadcast_in_dim3A_417 : vector<128x1xf32> to vector<128x4096xf32>
    %gt3A_423 = arith.cmpf ogt, %select_n3A_82, %gt3A_422 : vector<128x4096xf32>
    %jit3A_424 = arith.constant 4.096000e+03 : f32
    %broadcast_in_dim3A_425 = vector.broadcast %jit3A_424 : f32 to vector<128x4096xf32>
    %select_n3A_426 = arith.select %gt3A_423, %select_n3A_82, %broadcast_in_dim3A_425 : vector<128x4096xi1>, vector<128x4096xf32>
    %reduce_min3A_427 = arith.constant dense<0x7F800000> : vector<128xf32>
    %reduce_min3A_428 = vector.multi_reduction <minimumf>, %select_n3A_426, %reduce_min3A_427 [1] : vector<128x4096xf32> to vector<128xf32>
    %broadcast_in_dim3A_429 = vector.shape_cast %reduce_min3A_428 : vector<128xf32> to vector<128x1xf32>
    %lt3A_430 = arith.constant 4.096000e+03 : f32
    %lt3A_431 = vector.broadcast %lt3A_430 : f32 to vector<128x1xf32>
    %lt3A_432 = arith.cmpf olt, %broadcast_in_dim3A_429, %lt3A_431 : vector<128x1xf32>
    %select_n3A_433 = arith.select %lt3A_432, %broadcast_in_dim3A_429, %select_n3A_96 : vector<128x1xi1>, vector<128x1xf32>
    %gt3A_434 = vector.broadcast %broadcast_in_dim3A_429 : vector<128x1xf32> to vector<128x4096xf32>
    %gt3A_435 = arith.cmpf ogt, %select_n3A_82, %gt3A_434 : vector<128x4096xf32>
    %jit3A_436 = arith.constant 4.096000e+03 : f32
    %broadcast_in_dim3A_437 = vector.broadcast %jit3A_436 : f32 to vector<128x4096xf32>
    %select_n3A_438 = arith.select %gt3A_435, %select_n3A_82, %broadcast_in_dim3A_437 : vector<128x4096xi1>, vector<128x4096xf32>
    %reduce_min3A_439 = arith.constant dense<0x7F800000> : vector<128xf32>
    %reduce_min3A_440 = vector.multi_reduction <minimumf>, %select_n3A_438, %reduce_min3A_439 [1] : vector<128x4096xf32> to vector<128xf32>
    %broadcast_in_dim3A_441 = vector.shape_cast %reduce_min3A_440 : vector<128xf32> to vector<128x1xf32>
    %lt3A_442 = arith.constant 4.096000e+03 : f32
    %lt3A_443 = vector.broadcast %lt3A_442 : f32 to vector<128x1xf32>
    %lt3A_444 = arith.cmpf olt, %broadcast_in_dim3A_441, %lt3A_443 : vector<128x1xf32>
    %select_n3A_445 = arith.select %lt3A_444, %broadcast_in_dim3A_441, %select_n3A_96 : vector<128x1xi1>, vector<128x1xf32>
    %gt3A_446 = vector.broadcast %broadcast_in_dim3A_441 : vector<128x1xf32> to vector<128x4096xf32>
    %gt3A_447 = arith.cmpf ogt, %select_n3A_82, %gt3A_446 : vector<128x4096xf32>
    %jit3A_448 = arith.constant 4.096000e+03 : f32
    %broadcast_in_dim3A_449 = vector.broadcast %jit3A_448 : f32 to vector<128x4096xf32>
    %select_n3A_450 = arith.select %gt3A_447, %select_n3A_82, %broadcast_in_dim3A_449 : vector<128x4096xi1>, vector<128x4096xf32>
    %reduce_min3A_451 = arith.constant dense<0x7F800000> : vector<128xf32>
    %reduce_min3A_452 = vector.multi_reduction <minimumf>, %select_n3A_450, %reduce_min3A_451 [1] : vector<128x4096xf32> to vector<128xf32>
    %broadcast_in_dim3A_453 = vector.shape_cast %reduce_min3A_452 : vector<128xf32> to vector<128x1xf32>
    %lt3A_454 = arith.constant 4.096000e+03 : f32
    %lt3A_455 = vector.broadcast %lt3A_454 : f32 to vector<128x1xf32>
    %lt3A_456 = arith.cmpf olt, %broadcast_in_dim3A_453, %lt3A_455 : vector<128x1xf32>
    %select_n3A_457 = arith.select %lt3A_456, %broadcast_in_dim3A_453, %select_n3A_96 : vector<128x1xi1>, vector<128x1xf32>
    %gt3A_458 = vector.broadcast %broadcast_in_dim3A_453 : vector<128x1xf32> to vector<128x4096xf32>
    %gt3A_459 = arith.cmpf ogt, %select_n3A_82, %gt3A_458 : vector<128x4096xf32>
    %jit3A_460 = arith.constant 4.096000e+03 : f32
    %broadcast_in_dim3A_461 = vector.broadcast %jit3A_460 : f32 to vector<128x4096xf32>
    %select_n3A_462 = arith.select %gt3A_459, %select_n3A_82, %broadcast_in_dim3A_461 : vector<128x4096xi1>, vector<128x4096xf32>
    %reduce_min3A_463 = arith.constant dense<0x7F800000> : vector<128xf32>
    %reduce_min3A_464 = vector.multi_reduction <minimumf>, %select_n3A_462, %reduce_min3A_463 [1] : vector<128x4096xf32> to vector<128xf32>
    %broadcast_in_dim3A_465 = vector.shape_cast %reduce_min3A_464 : vector<128xf32> to vector<128x1xf32>
    %lt3A_466 = arith.constant 4.096000e+03 : f32
    %lt3A_467 = vector.broadcast %lt3A_466 : f32 to vector<128x1xf32>
    %lt3A_468 = arith.cmpf olt, %broadcast_in_dim3A_465, %lt3A_467 : vector<128x1xf32>
    %select_n3A_469 = arith.select %lt3A_468, %broadcast_in_dim3A_465, %select_n3A_96 : vector<128x1xi1>, vector<128x1xf32>
    %concatenate3A_470 = tpu.concatenate %select_n3A_97, %select_n3A_109, %select_n3A_121, %select_n3A_133, %select_n3A_145, %select_n3A_157, %select_n3A_169, %select_n3A_181, %select_n3A_193, %select_n3A_205, %select_n3A_217, %select_n3A_229, %select_n3A_241, %select_n3A_253, %select_n3A_265, %select_n3A_277, %select_n3A_289, %select_n3A_301, %select_n3A_313, %select_n3A_325, %select_n3A_337, %select_n3A_349, %select_n3A_361, %select_n3A_373, %select_n3A_385, %select_n3A_397, %select_n3A_409, %select_n3A_421, %select_n3A_433, %select_n3A_445, %select_n3A_457, %select_n3A_469 in 1 : vector<128x1xf32>, vector<128x1xf32>, vector<128x1xf32>, vector<128x1xf32>, vector<128x1xf32>, vector<128x1xf32>, vector<128x1xf32>, vector<128x1xf32>, vector<128x1xf32>, vector<128x1xf32>, vector<128x1xf32>, vector<128x1xf32>, vector<128x1xf32>, vector<128x1xf32>, vector<128x1xf32>, vector<128x1xf32>, vector<128x1xf32>, vector<128x1xf32>, vector<128x1xf32>, vector<128x1xf32>, vector<128x1xf32>, vector<128x1xf32>, vector<128x1xf32>, vector<128x1xf32>, vector<128x1xf32>, vector<128x1xf32>, vector<128x1xf32>, vector<128x1xf32>, vector<128x1xf32>, vector<128x1xf32>, vector<128x1xf32>, vector<128x1xf32> -> vector<128x32xf32>
    %convert_element_type3A_471 = arith.fptosi %concatenate3A_470 : vector<128x32xf32> to vector<128x32xi32>
    %mul3A_472 = arith.constant 4096 : i32
    %mul3A_473 = arith.muli %add3A_0, %mul3A_472 : i32
    %add3A_474 = vector.broadcast %mul3A_473 : i32 to vector<128x32xi32>
    %add3A_475 = arith.addi %convert_element_type3A_471, %add3A_474 : vector<128x32xi32>
    %broadcast_in_dim3A_476 = vector.shape_cast %add3A_475 : vector<128x32xi32> to vector<1x128x32xi32>
    %swap3A = arith.constant 0 : index
    %swap3A_477 = arith.constant 0 : index
    %swap3A_478 = arith.constant 0 : index
    %swap3A_479 = vector.load %arg8[%swap3A, %swap3A_477, %swap3A_478] : memref<1x128x32xi32, #tpu.memory_space<vmem>>, vector<1x128x32xi32>
    tpu.vector_store %arg8[%swap3A, %swap3A_477, %swap3A_478], %broadcast_in_dim3A_476 {strides = array<i32>} : memref<1x128x32xi32, #tpu.memory_space<vmem>>, vector<1x128x32xi32>,
    return
  }
  func.func @transform_0(%arg0: i32, %arg1: i32) -> (i32, i32) {
    %c0_i32 = arith.constant 0 : i32
    %c0_i32_0 = arith.constant 0 : i32
    %c0_i32_1 = arith.constant 0 : i32
    return %c0_i32, %c0_i32_0 : i32, i32
  }
  func.func @transform_1(%arg0: i32, %arg1: i32) -> (i32, i32) {
    %c0_i32 = arith.constant 0 : i32
    %c0_i32_0 = arith.constant 0 : i32
    %c0_i32_1 = arith.constant 0 : i32
    return %c0_i32, %c0_i32_0 : i32, i32
  }
  func.func @transform_2(%arg0: i32, %arg1: i32) -> (i32, i32) {
    %c0_i32 = arith.constant 0 : i32
    %c0_i32_0 = arith.constant 0 : i32
    %c0_i32_1 = arith.constant 0 : i32
    return %c0_i32, %c0_i32_0 : i32, i32
  }
  func.func @transform_3(%arg0: i32, %arg1: i32) -> (i32, i32) {
    %c0_i32 = arith.constant 0 : i32
    %c0_i32_0 = arith.constant 0 : i32
    %c0_i32_1 = arith.constant 0 : i32
    return %c0_i32, %c0_i32_0 : i32, i32
  }
  func.func @transform_4(%arg0: i32, %arg1: i32) -> (i32, i32) {
    %c0_i32 = arith.constant 0 : i32
    %c0_i32_0 = arith.constant 0 : i32
    %c0_i32_1 = arith.constant 0 : i32
    return %c0_i32, %c0_i32_0 : i32, i32
  }
  func.func @transform_5(%arg0: i32, %arg1: i32) -> (i32, i32) {
    %c0_i32 = arith.constant 0 : i32
    %c0_i32_0 = arith.constant 0 : i32
    %c0_i32_1 = arith.constant 0 : i32
    return %c0_i32, %c0_i32_0 : i32, i32
  }
  func.func @transform_6(%arg0: i32, %arg1: i32) -> (i32, i32, i32) {
    %c0_i32 = arith.constant 0 : i32
    %c0_i32_0 = arith.constant 0 : i32
    return %arg0, %arg1, %c0_i32 : i32, i32, i32
  }
}

module attributes {stable_mosaic.version = 14 : i64} {
  func.func @_ball_body(%arg0: i32, %arg1: i32, %arg2: memref<8x4096xf32, #tpu.memory_space<vmem>>, %arg3: memref<8x4096xf32, #tpu.memory_space<vmem>>, %arg4: memref<8x4096xf32, #tpu.memory_space<vmem>>, %arg5: memref<512x8xf32, #tpu.memory_space<vmem>>, %arg6: memref<512x8xf32, #tpu.memory_space<vmem>>, %arg7: memref<512x8xf32, #tpu.memory_space<vmem>>, %arg8: memref<1x128x32xi32, #tpu.memory_space<vmem>>) attributes {dimension_semantics = [#tpu.dimension_semantics<arbitrary>, #tpu.dimension_semantics<arbitrary>], iteration_bounds = array<i64: 4, 4>, scalar_prefetch = 0 : i64, scratch_operands = 0 : i64, tpu.core_type = #tpu.core_type<tc>, window_params = [{pipeline_mode = #tpu.pipeline_mode<synchronous>, transform_indices = @transform_0, window_bounds = array<i64: 8, 4096>}, {pipeline_mode = #tpu.pipeline_mode<synchronous>, transform_indices = @transform_1, window_bounds = array<i64: 8, 4096>}, {pipeline_mode = #tpu.pipeline_mode<synchronous>, transform_indices = @transform_2, window_bounds = array<i64: 8, 4096>}, {pipeline_mode = #tpu.pipeline_mode<synchronous>, transform_indices = @transform_3, window_bounds = array<i64: 512, 8>}, {pipeline_mode = #tpu.pipeline_mode<synchronous>, transform_indices = @transform_4, window_bounds = array<i64: 512, 8>}, {pipeline_mode = #tpu.pipeline_mode<synchronous>, transform_indices = @transform_5, window_bounds = array<i64: 512, 8>}, {transform_indices = @transform_6, window_bounds = array<i64: 1, 128, 32>}]} {
    %add3A = arith.constant 4 : i32
    %add3A_0 = arith.addi %arg0, %add3A : i32
    %iota3A = tpu.iota {dimensions = array<i32: 0>} : vector<8x4096xi32>
    %eq3A = vector.broadcast %add3A_0 : i32 to vector<8x4096xi32>
    %eq3A_1 = arith.cmpi eq, %iota3A, %eq3A : vector<8x4096xi32>
    %get3A = arith.constant 0 : index
    %get3A_2 = arith.constant 0 : index
    %get3A_3 = vector.load %arg2[%get3A, %get3A_2] : memref<8x4096xf32, #tpu.memory_space<vmem>>, vector<8x4096xf32>
    %jit3A = arith.constant 0.000000e+00 : f32
    %broadcast_in_dim3A = vector.broadcast %jit3A : f32 to vector<8x4096xf32>
    %select_n3A = arith.select %eq3A_1, %get3A_3, %broadcast_in_dim3A : vector<8x4096xi1>, vector<8x4096xf32>
    %reduce_sum3A = arith.constant dense<0.000000e+00> : vector<4096xf32>
    %reduce_sum3A_4 = vector.multi_reduction <add>, %select_n3A, %reduce_sum3A [0] : vector<8x4096xf32> to vector<4096xf32>
    %broadcast_in_dim3A_5 = vector.shape_cast %reduce_sum3A_4 : vector<4096xf32> to vector<1x4096xf32>
    %get3A_6 = arith.constant 0 : index
    %get3A_7 = arith.constant 0 : index
    %get3A_8 = vector.load %arg3[%get3A_6, %get3A_7] : memref<8x4096xf32, #tpu.memory_space<vmem>>, vector<8x4096xf32>
    %jit3A_9 = arith.constant 0.000000e+00 : f32
    %broadcast_in_dim3A_10 = vector.broadcast %jit3A_9 : f32 to vector<8x4096xf32>
    %select_n3A_11 = arith.select %eq3A_1, %get3A_8, %broadcast_in_dim3A_10 : vector<8x4096xi1>, vector<8x4096xf32>
    %reduce_sum3A_12 = arith.constant dense<0.000000e+00> : vector<4096xf32>
    %reduce_sum3A_13 = vector.multi_reduction <add>, %select_n3A_11, %reduce_sum3A_12 [0] : vector<8x4096xf32> to vector<4096xf32>
    %broadcast_in_dim3A_14 = vector.shape_cast %reduce_sum3A_13 : vector<4096xf32> to vector<1x4096xf32>
    %get3A_15 = arith.constant 0 : index
    %get3A_16 = arith.constant 0 : index
    %get3A_17 = vector.load %arg4[%get3A_15, %get3A_16] : memref<8x4096xf32, #tpu.memory_space<vmem>>, vector<8x4096xf32>
    %jit3A_18 = arith.constant 0.000000e+00 : f32
    %broadcast_in_dim3A_19 = vector.broadcast %jit3A_18 : f32 to vector<8x4096xf32>
    %select_n3A_20 = arith.select %eq3A_1, %get3A_17, %broadcast_in_dim3A_19 : vector<8x4096xi1>, vector<8x4096xf32>
    %reduce_sum3A_21 = arith.constant dense<0.000000e+00> : vector<4096xf32>
    %reduce_sum3A_22 = vector.multi_reduction <add>, %select_n3A_20, %reduce_sum3A_21 [0] : vector<8x4096xf32> to vector<4096xf32>
    %broadcast_in_dim3A_23 = vector.shape_cast %reduce_sum3A_22 : vector<4096xf32> to vector<1x4096xf32>
    %mul3A = arith.constant 128 : i32
    %mul3A_24 = arith.muli %arg1, %mul3A : i32
    %iota3A_25 = tpu.iota {dimensions = array<i32: 1>} : vector<128x8xi32>
    %eq3A_26 = vector.broadcast %add3A_0 : i32 to vector<128x8xi32>
    %eq3A_27 = arith.cmpi eq, %iota3A_25, %eq3A_26 : vector<128x8xi32>
    %get3A_28 = arith.index_cast %mul3A_24 : i32 to index
    %get3A_29 = arith.constant 0 : index
    %get3A_30 = vector.load %arg5[%get3A_28, %get3A_29] : memref<512x8xf32, #tpu.memory_space<vmem>>, vector<128x8xf32>
    %jit3A_31 = arith.constant 0.000000e+00 : f32
    %broadcast_in_dim3A_32 = vector.broadcast %jit3A_31 : f32 to vector<128x8xf32>
    %select_n3A_33 = arith.select %eq3A_27, %get3A_30, %broadcast_in_dim3A_32 : vector<128x8xi1>, vector<128x8xf32>
    %reduce_sum3A_34 = arith.constant dense<0.000000e+00> : vector<128xf32>
    %reduce_sum3A_35 = vector.multi_reduction <add>, %select_n3A_33, %reduce_sum3A_34 [1] : vector<128x8xf32> to vector<128xf32>
    %broadcast_in_dim3A_36 = vector.shape_cast %reduce_sum3A_35 : vector<128xf32> to vector<128x1xf32>
    %get3A_37 = arith.index_cast %mul3A_24 : i32 to index
    %get3A_38 = arith.constant 0 : index
    %get3A_39 = vector.load %arg6[%get3A_37, %get3A_38] : memref<512x8xf32, #tpu.memory_space<vmem>>, vector<128x8xf32>
    %jit3A_40 = arith.constant 0.000000e+00 : f32
    %broadcast_in_dim3A_41 = vector.broadcast %jit3A_40 : f32 to vector<128x8xf32>
    %select_n3A_42 = arith.select %eq3A_27, %get3A_39, %broadcast_in_dim3A_41 : vector<128x8xi1>, vector<128x8xf32>
    %reduce_sum3A_43 = arith.constant dense<0.000000e+00> : vector<128xf32>
    %reduce_sum3A_44 = vector.multi_reduction <add>, %select_n3A_42, %reduce_sum3A_43 [1] : vector<128x8xf32> to vector<128xf32>
    %broadcast_in_dim3A_45 = vector.shape_cast %reduce_sum3A_44 : vector<128xf32> to vector<128x1xf32>
    %get3A_46 = arith.index_cast %mul3A_24 : i32 to index
    %get3A_47 = arith.constant 0 : index
    %get3A_48 = vector.load %arg7[%get3A_46, %get3A_47] : memref<512x8xf32, #tpu.memory_space<vmem>>, vector<128x8xf32>
    %jit3A_49 = arith.constant 0.000000e+00 : f32
    %broadcast_in_dim3A_50 = vector.broadcast %jit3A_49 : f32 to vector<128x8xf32>
    %select_n3A_51 = arith.select %eq3A_27, %get3A_48, %broadcast_in_dim3A_50 : vector<128x8xi1>, vector<128x8xf32>
    %reduce_sum3A_52 = arith.constant dense<0.000000e+00> : vector<128xf32>
    %reduce_sum3A_53 = vector.multi_reduction <add>, %select_n3A_51, %reduce_sum3A_52 [1] : vector<128x8xf32> to vector<128xf32>
    %broadcast_in_dim3A_54 = vector.shape_cast %reduce_sum3A_53 : vector<128xf32> to vector<128x1xf32>
    %mul3A_55 = arith.mulf %broadcast_in_dim3A_36, %broadcast_in_dim3A_36 : vector<128x1xf32>
    %mul3A_56 = arith.mulf %broadcast_in_dim3A_45, %broadcast_in_dim3A_45 : vector<128x1xf32>
    %add3A_57 = arith.addf %mul3A_55, %mul3A_56 : vector<128x1xf32>
    %mul3A_58 = arith.mulf %broadcast_in_dim3A_54, %broadcast_in_dim3A_54 : vector<128x1xf32>
    %add3A_59 = arith.addf %add3A_57, %mul3A_58 : vector<128x1xf32>
    %mul3A_60 = arith.mulf %broadcast_in_dim3A_5, %broadcast_in_dim3A_5 : vector<1x4096xf32>
    %mul3A_61 = arith.mulf %broadcast_in_dim3A_14, %broadcast_in_dim3A_14 : vector<1x4096xf32>
    %add3A_62 = arith.addf %mul3A_60, %mul3A_61 : vector<1x4096xf32>
    %mul3A_63 = arith.mulf %broadcast_in_dim3A_23, %broadcast_in_dim3A_23 : vector<1x4096xf32>
    %add3A_64 = arith.addf %add3A_62, %mul3A_63 : vector<1x4096xf32>
    %broadcast_in_dim3A_65 = arith.constant 0.000000e+00 : f32
    %broadcast_in_dim3A_66 = vector.broadcast %broadcast_in_dim3A_65 : f32 to vector<128x5xf32>
    %concatenate3A = tpu.concatenate %broadcast_in_dim3A_36, %broadcast_in_dim3A_45, %broadcast_in_dim3A_54, %broadcast_in_dim3A_66 in 1 : vector<128x1xf32>, vector<128x1xf32>, vector<128x1xf32>, vector<128x5xf32> -> vector<128x8xf32>
    %broadcast_in_dim3A_67 = arith.constant 0.000000e+00 : f32
    %broadcast_in_dim3A_68 = vector.broadcast %broadcast_in_dim3A_67 : f32 to vector<5x4096xf32>
    %concatenate3A_69 = tpu.concatenate %broadcast_in_dim3A_5, %broadcast_in_dim3A_14, %broadcast_in_dim3A_23, %broadcast_in_dim3A_68 in 0 : vector<1x4096xf32>, vector<1x4096xf32>, vector<1x4096xf32>, vector<5x4096xf32> -> vector<8x4096xf32>
    %dot_general3A = arith.constant dense<0.000000e+00> : vector<128x4096xf32>
    %dot_general3A_70 = tpu.matmul %concatenate3A, %concatenate3A_69, %dot_general3A {dimension_numbers = #tpu.dot_dimension_numbers<[1], [0], [0], [1], [0, 0, 1, 1], [], []>, transpose_lhs_hint = false} : vector<128x8xf32>, vector<8x4096xf32>, vector<128x4096xf32> -> vector<128x4096xf32>
    %add3A_71 = vector.broadcast %add3A_59 : vector<128x1xf32> to vector<128x4096xf32>
    %add3A_72 = vector.broadcast %add3A_64 : vector<1x4096xf32> to vector<128x4096xf32>
    %add3A_73 = arith.addf %add3A_71, %add3A_72 : vector<128x4096xf32>
    %mul3A_74 = arith.constant 2.000000e+00 : f32
    %mul3A_75 = vector.broadcast %mul3A_74 : f32 to vector<128x4096xf32>
    %mul3A_76 = arith.mulf %mul3A_75, %dot_general3A_70 : vector<128x4096xf32>
    %sub3A = arith.subf %add3A_73, %mul3A_76 : vector<128x4096xf32>
    %lt3A = arith.constant 6.250000e-02 : f32
    %lt3A_77 = vector.broadcast %lt3A : f32 to vector<128x4096xf32>
    %lt3A_78 = arith.cmpf olt, %sub3A, %lt3A_77 : vector<128x4096xf32>
    %iota3A_79 = tpu.iota {dimensions = array<i32: 1>} : vector<128x4096xi32>
    %convert_element_type3A = arith.sitofp %iota3A_79 : vector<128x4096xi32> to vector<128x4096xf32>
    %jit3A_80 = arith.constant 4.096000e+03 : f32
    %broadcast_in_dim3A_81 = vector.broadcast %jit3A_80 : f32 to vector<128x4096xf32>
    %select_n3A_82 = arith.select %lt3A_78, %convert_element_type3A, %broadcast_in_dim3A_81 : vector<128x4096xi1>, vector<128x4096xf32>
    %broadcast_in_dim3A_83 = arith.constant -1.000000e+00 : f32
    %broadcast_in_dim3A_84 = vector.broadcast %broadcast_in_dim3A_83 : f32 to vector<128x1xf32>
    %gt3A = vector.broadcast %broadcast_in_dim3A_84 : vector<128x1xf32> to vector<128x4096xf32>
    %gt3A_85 = arith.cmpf ogt, %select_n3A_82, %gt3A : vector<128x4096xf32>
    %jit3A_86 = arith.constant 4.096000e+03 : f32
    %broadcast_in_dim3A_87 = vector.broadcast %jit3A_86 : f32 to vector<128x4096xf32>
    %select_n3A_88 = arith.select %gt3A_85, %select_n3A_82, %broadcast_in_dim3A_87 : vector<128x4096xi1>, vector<128x4096xf32>
    %reduce_min3A = arith.constant dense<0x7F800000> : vector<128xf32>
    %reduce_min3A_89 = vector.multi_reduction <minimumf>, %select_n3A_88, %reduce_min3A [1] : vector<128x4096xf32> to vector<128xf32>
    %broadcast_in_dim3A_90 = vector.shape_cast %reduce_min3A_89 : vector<128xf32> to vector<128x1xf32>
    %lt3A_91 = arith.constant 4.096000e+03 : f32
    %lt3A_92 = vector.broadcast %lt3A_91 : f32 to vector<128x1xf32>
    %lt3A_93 = arith.cmpf olt, %broadcast_in_dim3A_90, %lt3A_92 : vector<128x1xf32>
    %jit3A_94 = arith.constant 0.000000e+00 : f32
    %broadcast_in_dim3A_95 = vector.broadcast %jit3A_94 : f32 to vector<128x1xf32>
    %select_n3A_96 = arith.select %lt3A_93, %broadcast_in_dim3A_90, %broadcast_in_dim3A_95 : vector<128x1xi1>, vector<128x1xf32>
    %select_n3A_97 = arith.select %lt3A_93, %broadcast_in_dim3A_90, %select_n3A_96 : vector<128x1xi1>, vector<128x1xf32>
    %gt3A_98 = vector.broadcast %broadcast_in_dim3A_90 : vector<128x1xf32> to vector<128x4096xf32>
    %gt3A_99 = arith.cmpf ogt, %select_n3A_82, %gt3A_98 : vector<128x4096xf32>
    %jit3A_100 = arith.constant 4.096000e+03 : f32
    %broadcast_in_dim3A_101 = vector.broadcast %jit3A_100 : f32 to vector<128x4096xf32>
    %select_n3A_102 = arith.select %gt3A_99, %select_n3A_82, %broadcast_in_dim3A_101 : vector<128x4096xi1>, vector<128x4096xf32>
    %reduce_min3A_103 = arith.constant dense<0x7F800000> : vector<128xf32>
    %reduce_min3A_104 = vector.multi_reduction <minimumf>, %select_n3A_102, %reduce_min3A_103 [1] : vector<128x4096xf32> to vector<128xf32>
    %broadcast_in_dim3A_105 = vector.shape_cast %reduce_min3A_104 : vector<128xf32> to vector<128x1xf32>
    %lt3A_106 = arith.constant 4.096000e+03 : f32
    %lt3A_107 = vector.broadcast %lt3A_106 : f32 to vector<128x1xf32>
    %lt3A_108 = arith.cmpf olt, %broadcast_in_dim3A_105, %lt3A_107 : vector<128x1xf32>
    %select_n3A_109 = arith.select %lt3A_108, %broadcast_in_dim3A_105, %select_n3A_96 : vector<128x1xi1>, vector<128x1xf32>
    %gt3A_110 = vector.broadcast %broadcast_in_dim3A_105 : vector<128x1xf32> to vector<128x4096xf32>
    %gt3A_111 = arith.cmpf ogt, %select_n3A_82, %gt3A_110 : vector<128x4096xf32>
    %jit3A_112 = arith.constant 4.096000e+03 : f32
    %broadcast_in_dim3A_113 = vector.broadcast %jit3A_112 : f32 to vector<128x4096xf32>
    %select_n3A_114 = arith.select %gt3A_111, %select_n3A_82, %broadcast_in_dim3A_113 : vector<128x4096xi1>, vector<128x4096xf32>
    %reduce_min3A_115 = arith.constant dense<0x7F800000> : vector<128xf32>
    %reduce_min3A_116 = vector.multi_reduction <minimumf>, %select_n3A_114, %reduce_min3A_115 [1] : vector<128x4096xf32> to vector<128xf32>
    %broadcast_in_dim3A_117 = vector.shape_cast %reduce_min3A_116 : vector<128xf32> to vector<128x1xf32>
    %lt3A_118 = arith.constant 4.096000e+03 : f32
    %lt3A_119 = vector.broadcast %lt3A_118 : f32 to vector<128x1xf32>
    %lt3A_120 = arith.cmpf olt, %broadcast_in_dim3A_117, %lt3A_119 : vector<128x1xf32>
    %select_n3A_121 = arith.select %lt3A_120, %broadcast_in_dim3A_117, %select_n3A_96 : vector<128x1xi1>, vector<128x1xf32>
    %gt3A_122 = vector.broadcast %broadcast_in_dim3A_117 : vector<128x1xf32> to vector<128x4096xf32>
    %gt3A_123 = arith.cmpf ogt, %select_n3A_82, %gt3A_122 : vector<128x4096xf32>
    %jit3A_124 = arith.constant 4.096000e+03 : f32
    %broadcast_in_dim3A_125 = vector.broadcast %jit3A_124 : f32 to vector<128x4096xf32>
    %select_n3A_126 = arith.select %gt3A_123, %select_n3A_82, %broadcast_in_dim3A_125 : vector<128x4096xi1>, vector<128x4096xf32>
    %reduce_min3A_127 = arith.constant dense<0x7F800000> : vector<128xf32>
    %reduce_min3A_128 = vector.multi_reduction <minimumf>, %select_n3A_126, %reduce_min3A_127 [1] : vector<128x4096xf32> to vector<128xf32>
    %broadcast_in_dim3A_129 = vector.shape_cast %reduce_min3A_128 : vector<128xf32> to vector<128x1xf32>
    %lt3A_130 = arith.constant 4.096000e+03 : f32
    %lt3A_131 = vector.broadcast %lt3A_130 : f32 to vector<128x1xf32>
    %lt3A_132 = arith.cmpf olt, %broadcast_in_dim3A_129, %lt3A_131 : vector<128x1xf32>
    %select_n3A_133 = arith.select %lt3A_132, %broadcast_in_dim3A_129, %select_n3A_96 : vector<128x1xi1>, vector<128x1xf32>
    %gt3A_134 = vector.broadcast %broadcast_in_dim3A_129 : vector<128x1xf32> to vector<128x4096xf32>
    %gt3A_135 = arith.cmpf ogt, %select_n3A_82, %gt3A_134 : vector<128x4096xf32>
    %jit3A_136 = arith.constant 4.096000e+03 : f32
    %broadcast_in_dim3A_137 = vector.broadcast %jit3A_136 : f32 to vector<128x4096xf32>
    %select_n3A_138 = arith.select %gt3A_135, %select_n3A_82, %broadcast_in_dim3A_137 : vector<128x4096xi1>, vector<128x4096xf32>
    %reduce_min3A_139 = arith.constant dense<0x7F800000> : vector<128xf32>
    %reduce_min3A_140 = vector.multi_reduction <minimumf>, %select_n3A_138, %reduce_min3A_139 [1] : vector<128x4096xf32> to vector<128xf32>
    %broadcast_in_dim3A_141 = vector.shape_cast %reduce_min3A_140 : vector<128xf32> to vector<128x1xf32>
    %lt3A_142 = arith.constant 4.096000e+03 : f32
    %lt3A_143 = vector.broadcast %lt3A_142 : f32 to vector<128x1xf32>
    %lt3A_144 = arith.cmpf olt, %broadcast_in_dim3A_141, %lt3A_143 : vector<128x1xf32>
    %select_n3A_145 = arith.select %lt3A_144, %broadcast_in_dim3A_141, %select_n3A_96 : vector<128x1xi1>, vector<128x1xf32>
    %gt3A_146 = vector.broadcast %broadcast_in_dim3A_141 : vector<128x1xf32> to vector<128x4096xf32>
    %gt3A_147 = arith.cmpf ogt, %select_n3A_82, %gt3A_146 : vector<128x4096xf32>
    %jit3A_148 = arith.constant 4.096000e+03 : f32
    %broadcast_in_dim3A_149 = vector.broadcast %jit3A_148 : f32 to vector<128x4096xf32>
    %select_n3A_150 = arith.select %gt3A_147, %select_n3A_82, %broadcast_in_dim3A_149 : vector<128x4096xi1>, vector<128x4096xf32>
    %reduce_min3A_151 = arith.constant dense<0x7F800000> : vector<128xf32>
    %reduce_min3A_152 = vector.multi_reduction <minimumf>, %select_n3A_150, %reduce_min3A_151 [1] : vector<128x4096xf32> to vector<128xf32>
    %broadcast_in_dim3A_153 = vector.shape_cast %reduce_min3A_152 : vector<128xf32> to vector<128x1xf32>
    %lt3A_154 = arith.constant 4.096000e+03 : f32
    %lt3A_155 = vector.broadcast %lt3A_154 : f32 to vector<128x1xf32>
    %lt3A_156 = arith.cmpf olt, %broadcast_in_dim3A_153, %lt3A_155 : vector<128x1xf32>
    %select_n3A_157 = arith.select %lt3A_156, %broadcast_in_dim3A_153, %select_n3A_96 : vector<128x1xi1>, vector<128x1xf32>
    %gt3A_158 = vector.broadcast %broadcast_in_dim3A_153 : vector<128x1xf32> to vector<128x4096xf32>
    %gt3A_159 = arith.cmpf ogt, %select_n3A_82, %gt3A_158 : vector<128x4096xf32>
    %jit3A_160 = arith.constant 4.096000e+03 : f32
    %broadcast_in_dim3A_161 = vector.broadcast %jit3A_160 : f32 to vector<128x4096xf32>
    %select_n3A_162 = arith.select %gt3A_159, %select_n3A_82, %broadcast_in_dim3A_161 : vector<128x4096xi1>, vector<128x4096xf32>
    %reduce_min3A_163 = arith.constant dense<0x7F800000> : vector<128xf32>
    %reduce_min3A_164 = vector.multi_reduction <minimumf>, %select_n3A_162, %reduce_min3A_163 [1] : vector<128x4096xf32> to vector<128xf32>
    %broadcast_in_dim3A_165 = vector.shape_cast %reduce_min3A_164 : vector<128xf32> to vector<128x1xf32>
    %lt3A_166 = arith.constant 4.096000e+03 : f32
    %lt3A_167 = vector.broadcast %lt3A_166 : f32 to vector<128x1xf32>
    %lt3A_168 = arith.cmpf olt, %broadcast_in_dim3A_165, %lt3A_167 : vector<128x1xf32>
    %select_n3A_169 = arith.select %lt3A_168, %broadcast_in_dim3A_165, %select_n3A_96 : vector<128x1xi1>, vector<128x1xf32>
    %gt3A_170 = vector.broadcast %broadcast_in_dim3A_165 : vector<128x1xf32> to vector<128x4096xf32>
    %gt3A_171 = arith.cmpf ogt, %select_n3A_82, %gt3A_170 : vector<128x4096xf32>
    %jit3A_172 = arith.constant 4.096000e+03 : f32
    %broadcast_in_dim3A_173 = vector.broadcast %jit3A_172 : f32 to vector<128x4096xf32>
    %select_n3A_174 = arith.select %gt3A_171, %select_n3A_82, %broadcast_in_dim3A_173 : vector<128x4096xi1>, vector<128x4096xf32>
    %reduce_min3A_175 = arith.constant dense<0x7F800000> : vector<128xf32>
    %reduce_min3A_176 = vector.multi_reduction <minimumf>, %select_n3A_174, %reduce_min3A_175 [1] : vector<128x4096xf32> to vector<128xf32>
    %broadcast_in_dim3A_177 = vector.shape_cast %reduce_min3A_176 : vector<128xf32> to vector<128x1xf32>
    %lt3A_178 = arith.constant 4.096000e+03 : f32
    %lt3A_179 = vector.broadcast %lt3A_178 : f32 to vector<128x1xf32>
    %lt3A_180 = arith.cmpf olt, %broadcast_in_dim3A_177, %lt3A_179 : vector<128x1xf32>
    %select_n3A_181 = arith.select %lt3A_180, %broadcast_in_dim3A_177, %select_n3A_96 : vector<128x1xi1>, vector<128x1xf32>
    %gt3A_182 = vector.broadcast %broadcast_in_dim3A_177 : vector<128x1xf32> to vector<128x4096xf32>
    %gt3A_183 = arith.cmpf ogt, %select_n3A_82, %gt3A_182 : vector<128x4096xf32>
    %jit3A_184 = arith.constant 4.096000e+03 : f32
    %broadcast_in_dim3A_185 = vector.broadcast %jit3A_184 : f32 to vector<128x4096xf32>
    %select_n3A_186 = arith.select %gt3A_183, %select_n3A_82, %broadcast_in_dim3A_185 : vector<128x4096xi1>, vector<128x4096xf32>
    %reduce_min3A_187 = arith.constant dense<0x7F800000> : vector<128xf32>
    %reduce_min3A_188 = vector.multi_reduction <minimumf>, %select_n3A_186, %reduce_min3A_187 [1] : vector<128x4096xf32> to vector<128xf32>
    %broadcast_in_dim3A_189 = vector.shape_cast %reduce_min3A_188 : vector<128xf32> to vector<128x1xf32>
    %lt3A_190 = arith.constant 4.096000e+03 : f32
    %lt3A_191 = vector.broadcast %lt3A_190 : f32 to vector<128x1xf32>
    %lt3A_192 = arith.cmpf olt, %broadcast_in_dim3A_189, %lt3A_191 : vector<128x1xf32>
    %select_n3A_193 = arith.select %lt3A_192, %broadcast_in_dim3A_189, %select_n3A_96 : vector<128x1xi1>, vector<128x1xf32>
    %gt3A_194 = vector.broadcast %broadcast_in_dim3A_189 : vector<128x1xf32> to vector<128x4096xf32>
    %gt3A_195 = arith.cmpf ogt, %select_n3A_82, %gt3A_194 : vector<128x4096xf32>
    %jit3A_196 = arith.constant 4.096000e+03 : f32
    %broadcast_in_dim3A_197 = vector.broadcast %jit3A_196 : f32 to vector<128x4096xf32>
    %select_n3A_198 = arith.select %gt3A_195, %select_n3A_82, %broadcast_in_dim3A_197 : vector<128x4096xi1>, vector<128x4096xf32>
    %reduce_min3A_199 = arith.constant dense<0x7F800000> : vector<128xf32>
    %reduce_min3A_200 = vector.multi_reduction <minimumf>, %select_n3A_198, %reduce_min3A_199 [1] : vector<128x4096xf32> to vector<128xf32>
    %broadcast_in_dim3A_201 = vector.shape_cast %reduce_min3A_200 : vector<128xf32> to vector<128x1xf32>
    %lt3A_202 = arith.constant 4.096000e+03 : f32
    %lt3A_203 = vector.broadcast %lt3A_202 : f32 to vector<128x1xf32>
    %lt3A_204 = arith.cmpf olt, %broadcast_in_dim3A_201, %lt3A_203 : vector<128x1xf32>
    %select_n3A_205 = arith.select %lt3A_204, %broadcast_in_dim3A_201, %select_n3A_96 : vector<128x1xi1>, vector<128x1xf32>
    %gt3A_206 = vector.broadcast %broadcast_in_dim3A_201 : vector<128x1xf32> to vector<128x4096xf32>
    %gt3A_207 = arith.cmpf ogt, %select_n3A_82, %gt3A_206 : vector<128x4096xf32>
    %jit3A_208 = arith.constant 4.096000e+03 : f32
    %broadcast_in_dim3A_209 = vector.broadcast %jit3A_208 : f32 to vector<128x4096xf32>
    %select_n3A_210 = arith.select %gt3A_207, %select_n3A_82, %broadcast_in_dim3A_209 : vector<128x4096xi1>, vector<128x4096xf32>
    %reduce_min3A_211 = arith.constant dense<0x7F800000> : vector<128xf32>
    %reduce_min3A_212 = vector.multi_reduction <minimumf>, %select_n3A_210, %reduce_min3A_211 [1] : vector<128x4096xf32> to vector<128xf32>
    %broadcast_in_dim3A_213 = vector.shape_cast %reduce_min3A_212 : vector<128xf32> to vector<128x1xf32>
    %lt3A_214 = arith.constant 4.096000e+03 : f32
    %lt3A_215 = vector.broadcast %lt3A_214 : f32 to vector<128x1xf32>
    %lt3A_216 = arith.cmpf olt, %broadcast_in_dim3A_213, %lt3A_215 : vector<128x1xf32>
    %select_n3A_217 = arith.select %lt3A_216, %broadcast_in_dim3A_213, %select_n3A_96 : vector<128x1xi1>, vector<128x1xf32>
    %gt3A_218 = vector.broadcast %broadcast_in_dim3A_213 : vector<128x1xf32> to vector<128x4096xf32>
    %gt3A_219 = arith.cmpf ogt, %select_n3A_82, %gt3A_218 : vector<128x4096xf32>
    %jit3A_220 = arith.constant 4.096000e+03 : f32
    %broadcast_in_dim3A_221 = vector.broadcast %jit3A_220 : f32 to vector<128x4096xf32>
    %select_n3A_222 = arith.select %gt3A_219, %select_n3A_82, %broadcast_in_dim3A_221 : vector<128x4096xi1>, vector<128x4096xf32>
    %reduce_min3A_223 = arith.constant dense<0x7F800000> : vector<128xf32>
    %reduce_min3A_224 = vector.multi_reduction <minimumf>, %select_n3A_222, %reduce_min3A_223 [1] : vector<128x4096xf32> to vector<128xf32>
    %broadcast_in_dim3A_225 = vector.shape_cast %reduce_min3A_224 : vector<128xf32> to vector<128x1xf32>
    %lt3A_226 = arith.constant 4.096000e+03 : f32
    %lt3A_227 = vector.broadcast %lt3A_226 : f32 to vector<128x1xf32>
    %lt3A_228 = arith.cmpf olt, %broadcast_in_dim3A_225, %lt3A_227 : vector<128x1xf32>
    %select_n3A_229 = arith.select %lt3A_228, %broadcast_in_dim3A_225, %select_n3A_96 : vector<128x1xi1>, vector<128x1xf32>
    %gt3A_230 = vector.broadcast %broadcast_in_dim3A_225 : vector<128x1xf32> to vector<128x4096xf32>
    %gt3A_231 = arith.cmpf ogt, %select_n3A_82, %gt3A_230 : vector<128x4096xf32>
    %jit3A_232 = arith.constant 4.096000e+03 : f32
    %broadcast_in_dim3A_233 = vector.broadcast %jit3A_232 : f32 to vector<128x4096xf32>
    %select_n3A_234 = arith.select %gt3A_231, %select_n3A_82, %broadcast_in_dim3A_233 : vector<128x4096xi1>, vector<128x4096xf32>
    %reduce_min3A_235 = arith.constant dense<0x7F800000> : vector<128xf32>
    %reduce_min3A_236 = vector.multi_reduction <minimumf>, %select_n3A_234, %reduce_min3A_235 [1] : vector<128x4096xf32> to vector<128xf32>
    %broadcast_in_dim3A_237 = vector.shape_cast %reduce_min3A_236 : vector<128xf32> to vector<128x1xf32>
    %lt3A_238 = arith.constant 4.096000e+03 : f32
    %lt3A_239 = vector.broadcast %lt3A_238 : f32 to vector<128x1xf32>
    %lt3A_240 = arith.cmpf olt, %broadcast_in_dim3A_237, %lt3A_239 : vector<128x1xf32>
    %select_n3A_241 = arith.select %lt3A_240, %broadcast_in_dim3A_237, %select_n3A_96 : vector<128x1xi1>, vector<128x1xf32>
    %gt3A_242 = vector.broadcast %broadcast_in_dim3A_237 : vector<128x1xf32> to vector<128x4096xf32>
    %gt3A_243 = arith.cmpf ogt, %select_n3A_82, %gt3A_242 : vector<128x4096xf32>
    %jit3A_244 = arith.constant 4.096000e+03 : f32
    %broadcast_in_dim3A_245 = vector.broadcast %jit3A_244 : f32 to vector<128x4096xf32>
    %select_n3A_246 = arith.select %gt3A_243, %select_n3A_82, %broadcast_in_dim3A_245 : vector<128x4096xi1>, vector<128x4096xf32>
    %reduce_min3A_247 = arith.constant dense<0x7F800000> : vector<128xf32>
    %reduce_min3A_248 = vector.multi_reduction <minimumf>, %select_n3A_246, %reduce_min3A_247 [1] : vector<128x4096xf32> to vector<128xf32>
    %broadcast_in_dim3A_249 = vector.shape_cast %reduce_min3A_248 : vector<128xf32> to vector<128x1xf32>
    %lt3A_250 = arith.constant 4.096000e+03 : f32
    %lt3A_251 = vector.broadcast %lt3A_250 : f32 to vector<128x1xf32>
    %lt3A_252 = arith.cmpf olt, %broadcast_in_dim3A_249, %lt3A_251 : vector<128x1xf32>
    %select_n3A_253 = arith.select %lt3A_252, %broadcast_in_dim3A_249, %select_n3A_96 : vector<128x1xi1>, vector<128x1xf32>
    %gt3A_254 = vector.broadcast %broadcast_in_dim3A_249 : vector<128x1xf32> to vector<128x4096xf32>
    %gt3A_255 = arith.cmpf ogt, %select_n3A_82, %gt3A_254 : vector<128x4096xf32>
    %jit3A_256 = arith.constant 4.096000e+03 : f32
    %broadcast_in_dim3A_257 = vector.broadcast %jit3A_256 : f32 to vector<128x4096xf32>
    %select_n3A_258 = arith.select %gt3A_255, %select_n3A_82, %broadcast_in_dim3A_257 : vector<128x4096xi1>, vector<128x4096xf32>
    %reduce_min3A_259 = arith.constant dense<0x7F800000> : vector<128xf32>
    %reduce_min3A_260 = vector.multi_reduction <minimumf>, %select_n3A_258, %reduce_min3A_259 [1] : vector<128x4096xf32> to vector<128xf32>
    %broadcast_in_dim3A_261 = vector.shape_cast %reduce_min3A_260 : vector<128xf32> to vector<128x1xf32>
    %lt3A_262 = arith.constant 4.096000e+03 : f32
    %lt3A_263 = vector.broadcast %lt3A_262 : f32 to vector<128x1xf32>
    %lt3A_264 = arith.cmpf olt, %broadcast_in_dim3A_261, %lt3A_263 : vector<128x1xf32>
    %select_n3A_265 = arith.select %lt3A_264, %broadcast_in_dim3A_261, %select_n3A_96 : vector<128x1xi1>, vector<128x1xf32>
    %gt3A_266 = vector.broadcast %broadcast_in_dim3A_261 : vector<128x1xf32> to vector<128x4096xf32>
    %gt3A_267 = arith.cmpf ogt, %select_n3A_82, %gt3A_266 : vector<128x4096xf32>
    %jit3A_268 = arith.constant 4.096000e+03 : f32
    %broadcast_in_dim3A_269 = vector.broadcast %jit3A_268 : f32 to vector<128x4096xf32>
    %select_n3A_270 = arith.select %gt3A_267, %select_n3A_82, %broadcast_in_dim3A_269 : vector<128x4096xi1>, vector<128x4096xf32>
    %reduce_min3A_271 = arith.constant dense<0x7F800000> : vector<128xf32>
    %reduce_min3A_272 = vector.multi_reduction <minimumf>, %select_n3A_270, %reduce_min3A_271 [1] : vector<128x4096xf32> to vector<128xf32>
    %broadcast_in_dim3A_273 = vector.shape_cast %reduce_min3A_272 : vector<128xf32> to vector<128x1xf32>
    %lt3A_274 = arith.constant 4.096000e+03 : f32
    %lt3A_275 = vector.broadcast %lt3A_274 : f32 to vector<128x1xf32>
    %lt3A_276 = arith.cmpf olt, %broadcast_in_dim3A_273, %lt3A_275 : vector<128x1xf32>
    %select_n3A_277 = arith.select %lt3A_276, %broadcast_in_dim3A_273, %select_n3A_96 : vector<128x1xi1>, vector<128x1xf32>
    %gt3A_278 = vector.broadcast %broadcast_in_dim3A_273 : vector<128x1xf32> to vector<128x4096xf32>
    %gt3A_279 = arith.cmpf ogt, %select_n3A_82, %gt3A_278 : vector<128x4096xf32>
    %jit3A_280 = arith.constant 4.096000e+03 : f32
    %broadcast_in_dim3A_281 = vector.broadcast %jit3A_280 : f32 to vector<128x4096xf32>
    %select_n3A_282 = arith.select %gt3A_279, %select_n3A_82, %broadcast_in_dim3A_281 : vector<128x4096xi1>, vector<128x4096xf32>
    %reduce_min3A_283 = arith.constant dense<0x7F800000> : vector<128xf32>
    %reduce_min3A_284 = vector.multi_reduction <minimumf>, %select_n3A_282, %reduce_min3A_283 [1] : vector<128x4096xf32> to vector<128xf32>
    %broadcast_in_dim3A_285 = vector.shape_cast %reduce_min3A_284 : vector<128xf32> to vector<128x1xf32>
    %lt3A_286 = arith.constant 4.096000e+03 : f32
    %lt3A_287 = vector.broadcast %lt3A_286 : f32 to vector<128x1xf32>
    %lt3A_288 = arith.cmpf olt, %broadcast_in_dim3A_285, %lt3A_287 : vector<128x1xf32>
    %select_n3A_289 = arith.select %lt3A_288, %broadcast_in_dim3A_285, %select_n3A_96 : vector<128x1xi1>, vector<128x1xf32>
    %gt3A_290 = vector.broadcast %broadcast_in_dim3A_285 : vector<128x1xf32> to vector<128x4096xf32>
    %gt3A_291 = arith.cmpf ogt, %select_n3A_82, %gt3A_290 : vector<128x4096xf32>
    %jit3A_292 = arith.constant 4.096000e+03 : f32
    %broadcast_in_dim3A_293 = vector.broadcast %jit3A_292 : f32 to vector<128x4096xf32>
    %select_n3A_294 = arith.select %gt3A_291, %select_n3A_82, %broadcast_in_dim3A_293 : vector<128x4096xi1>, vector<128x4096xf32>
    %reduce_min3A_295 = arith.constant dense<0x7F800000> : vector<128xf32>
    %reduce_min3A_296 = vector.multi_reduction <minimumf>, %select_n3A_294, %reduce_min3A_295 [1] : vector<128x4096xf32> to vector<128xf32>
    %broadcast_in_dim3A_297 = vector.shape_cast %reduce_min3A_296 : vector<128xf32> to vector<128x1xf32>
    %lt3A_298 = arith.constant 4.096000e+03 : f32
    %lt3A_299 = vector.broadcast %lt3A_298 : f32 to vector<128x1xf32>
    %lt3A_300 = arith.cmpf olt, %broadcast_in_dim3A_297, %lt3A_299 : vector<128x1xf32>
    %select_n3A_301 = arith.select %lt3A_300, %broadcast_in_dim3A_297, %select_n3A_96 : vector<128x1xi1>, vector<128x1xf32>
    %gt3A_302 = vector.broadcast %broadcast_in_dim3A_297 : vector<128x1xf32> to vector<128x4096xf32>
    %gt3A_303 = arith.cmpf ogt, %select_n3A_82, %gt3A_302 : vector<128x4096xf32>
    %jit3A_304 = arith.constant 4.096000e+03 : f32
    %broadcast_in_dim3A_305 = vector.broadcast %jit3A_304 : f32 to vector<128x4096xf32>
    %select_n3A_306 = arith.select %gt3A_303, %select_n3A_82, %broadcast_in_dim3A_305 : vector<128x4096xi1>, vector<128x4096xf32>
    %reduce_min3A_307 = arith.constant dense<0x7F800000> : vector<128xf32>
    %reduce_min3A_308 = vector.multi_reduction <minimumf>, %select_n3A_306, %reduce_min3A_307 [1] : vector<128x4096xf32> to vector<128xf32>
    %broadcast_in_dim3A_309 = vector.shape_cast %reduce_min3A_308 : vector<128xf32> to vector<128x1xf32>
    %lt3A_310 = arith.constant 4.096000e+03 : f32
    %lt3A_311 = vector.broadcast %lt3A_310 : f32 to vector<128x1xf32>
    %lt3A_312 = arith.cmpf olt, %broadcast_in_dim3A_309, %lt3A_311 : vector<128x1xf32>
    %select_n3A_313 = arith.select %lt3A_312, %broadcast_in_dim3A_309, %select_n3A_96 : vector<128x1xi1>, vector<128x1xf32>
    %gt3A_314 = vector.broadcast %broadcast_in_dim3A_309 : vector<128x1xf32> to vector<128x4096xf32>
    %gt3A_315 = arith.cmpf ogt, %select_n3A_82, %gt3A_314 : vector<128x4096xf32>
    %jit3A_316 = arith.constant 4.096000e+03 : f32
    %broadcast_in_dim3A_317 = vector.broadcast %jit3A_316 : f32 to vector<128x4096xf32>
    %select_n3A_318 = arith.select %gt3A_315, %select_n3A_82, %broadcast_in_dim3A_317 : vector<128x4096xi1>, vector<128x4096xf32>
    %reduce_min3A_319 = arith.constant dense<0x7F800000> : vector<128xf32>
    %reduce_min3A_320 = vector.multi_reduction <minimumf>, %select_n3A_318, %reduce_min3A_319 [1] : vector<128x4096xf32> to vector<128xf32>
    %broadcast_in_dim3A_321 = vector.shape_cast %reduce_min3A_320 : vector<128xf32> to vector<128x1xf32>
    %lt3A_322 = arith.constant 4.096000e+03 : f32
    %lt3A_323 = vector.broadcast %lt3A_322 : f32 to vector<128x1xf32>
    %lt3A_324 = arith.cmpf olt, %broadcast_in_dim3A_321, %lt3A_323 : vector<128x1xf32>
    %select_n3A_325 = arith.select %lt3A_324, %broadcast_in_dim3A_321, %select_n3A_96 : vector<128x1xi1>, vector<128x1xf32>
    %gt3A_326 = vector.broadcast %broadcast_in_dim3A_321 : vector<128x1xf32> to vector<128x4096xf32>
    %gt3A_327 = arith.cmpf ogt, %select_n3A_82, %gt3A_326 : vector<128x4096xf32>
    %jit3A_328 = arith.constant 4.096000e+03 : f32
    %broadcast_in_dim3A_329 = vector.broadcast %jit3A_328 : f32 to vector<128x4096xf32>
    %select_n3A_330 = arith.select %gt3A_327, %select_n3A_82, %broadcast_in_dim3A_329 : vector<128x4096xi1>, vector<128x4096xf32>
    %reduce_min3A_331 = arith.constant dense<0x7F800000> : vector<128xf32>
    %reduce_min3A_332 = vector.multi_reduction <minimumf>, %select_n3A_330, %reduce_min3A_331 [1] : vector<128x4096xf32> to vector<128xf32>
    %broadcast_in_dim3A_333 = vector.shape_cast %reduce_min3A_332 : vector<128xf32> to vector<128x1xf32>
    %lt3A_334 = arith.constant 4.096000e+03 : f32
    %lt3A_335 = vector.broadcast %lt3A_334 : f32 to vector<128x1xf32>
    %lt3A_336 = arith.cmpf olt, %broadcast_in_dim3A_333, %lt3A_335 : vector<128x1xf32>
    %select_n3A_337 = arith.select %lt3A_336, %broadcast_in_dim3A_333, %select_n3A_96 : vector<128x1xi1>, vector<128x1xf32>
    %gt3A_338 = vector.broadcast %broadcast_in_dim3A_333 : vector<128x1xf32> to vector<128x4096xf32>
    %gt3A_339 = arith.cmpf ogt, %select_n3A_82, %gt3A_338 : vector<128x4096xf32>
    %jit3A_340 = arith.constant 4.096000e+03 : f32
    %broadcast_in_dim3A_341 = vector.broadcast %jit3A_340 : f32 to vector<128x4096xf32>
    %select_n3A_342 = arith.select %gt3A_339, %select_n3A_82, %broadcast_in_dim3A_341 : vector<128x4096xi1>, vector<128x4096xf32>
    %reduce_min3A_343 = arith.constant dense<0x7F800000> : vector<128xf32>
    %reduce_min3A_344 = vector.multi_reduction <minimumf>, %select_n3A_342, %reduce_min3A_343 [1] : vector<128x4096xf32> to vector<128xf32>
    %broadcast_in_dim3A_345 = vector.shape_cast %reduce_min3A_344 : vector<128xf32> to vector<128x1xf32>
    %lt3A_346 = arith.constant 4.096000e+03 : f32
    %lt3A_347 = vector.broadcast %lt3A_346 : f32 to vector<128x1xf32>
    %lt3A_348 = arith.cmpf olt, %broadcast_in_dim3A_345, %lt3A_347 : vector<128x1xf32>
    %select_n3A_349 = arith.select %lt3A_348, %broadcast_in_dim3A_345, %select_n3A_96 : vector<128x1xi1>, vector<128x1xf32>
    %gt3A_350 = vector.broadcast %broadcast_in_dim3A_345 : vector<128x1xf32> to vector<128x4096xf32>
    %gt3A_351 = arith.cmpf ogt, %select_n3A_82, %gt3A_350 : vector<128x4096xf32>
    %jit3A_352 = arith.constant 4.096000e+03 : f32
    %broadcast_in_dim3A_353 = vector.broadcast %jit3A_352 : f32 to vector<128x4096xf32>
    %select_n3A_354 = arith.select %gt3A_351, %select_n3A_82, %broadcast_in_dim3A_353 : vector<128x4096xi1>, vector<128x4096xf32>
    %reduce_min3A_355 = arith.constant dense<0x7F800000> : vector<128xf32>
    %reduce_min3A_356 = vector.multi_reduction <minimumf>, %select_n3A_354, %reduce_min3A_355 [1] : vector<128x4096xf32> to vector<128xf32>
    %broadcast_in_dim3A_357 = vector.shape_cast %reduce_min3A_356 : vector<128xf32> to vector<128x1xf32>
    %lt3A_358 = arith.constant 4.096000e+03 : f32
    %lt3A_359 = vector.broadcast %lt3A_358 : f32 to vector<128x1xf32>
    %lt3A_360 = arith.cmpf olt, %broadcast_in_dim3A_357, %lt3A_359 : vector<128x1xf32>
    %select_n3A_361 = arith.select %lt3A_360, %broadcast_in_dim3A_357, %select_n3A_96 : vector<128x1xi1>, vector<128x1xf32>
    %gt3A_362 = vector.broadcast %broadcast_in_dim3A_357 : vector<128x1xf32> to vector<128x4096xf32>
    %gt3A_363 = arith.cmpf ogt, %select_n3A_82, %gt3A_362 : vector<128x4096xf32>
    %jit3A_364 = arith.constant 4.096000e+03 : f32
    %broadcast_in_dim3A_365 = vector.broadcast %jit3A_364 : f32 to vector<128x4096xf32>
    %select_n3A_366 = arith.select %gt3A_363, %select_n3A_82, %broadcast_in_dim3A_365 : vector<128x4096xi1>, vector<128x4096xf32>
    %reduce_min3A_367 = arith.constant dense<0x7F800000> : vector<128xf32>
    %reduce_min3A_368 = vector.multi_reduction <minimumf>, %select_n3A_366, %reduce_min3A_367 [1] : vector<128x4096xf32> to vector<128xf32>
    %broadcast_in_dim3A_369 = vector.shape_cast %reduce_min3A_368 : vector<128xf32> to vector<128x1xf32>
    %lt3A_370 = arith.constant 4.096000e+03 : f32
    %lt3A_371 = vector.broadcast %lt3A_370 : f32 to vector<128x1xf32>
    %lt3A_372 = arith.cmpf olt, %broadcast_in_dim3A_369, %lt3A_371 : vector<128x1xf32>
    %select_n3A_373 = arith.select %lt3A_372, %broadcast_in_dim3A_369, %select_n3A_96 : vector<128x1xi1>, vector<128x1xf32>
    %gt3A_374 = vector.broadcast %broadcast_in_dim3A_369 : vector<128x1xf32> to vector<128x4096xf32>
    %gt3A_375 = arith.cmpf ogt, %select_n3A_82, %gt3A_374 : vector<128x4096xf32>
    %jit3A_376 = arith.constant 4.096000e+03 : f32
    %broadcast_in_dim3A_377 = vector.broadcast %jit3A_376 : f32 to vector<128x4096xf32>
    %select_n3A_378 = arith.select %gt3A_375, %select_n3A_82, %broadcast_in_dim3A_377 : vector<128x4096xi1>, vector<128x4096xf32>
    %reduce_min3A_379 = arith.constant dense<0x7F800000> : vector<128xf32>
    %reduce_min3A_380 = vector.multi_reduction <minimumf>, %select_n3A_378, %reduce_min3A_379 [1] : vector<128x4096xf32> to vector<128xf32>
    %broadcast_in_dim3A_381 = vector.shape_cast %reduce_min3A_380 : vector<128xf32> to vector<128x1xf32>
    %lt3A_382 = arith.constant 4.096000e+03 : f32
    %lt3A_383 = vector.broadcast %lt3A_382 : f32 to vector<128x1xf32>
    %lt3A_384 = arith.cmpf olt, %broadcast_in_dim3A_381, %lt3A_383 : vector<128x1xf32>
    %select_n3A_385 = arith.select %lt3A_384, %broadcast_in_dim3A_381, %select_n3A_96 : vector<128x1xi1>, vector<128x1xf32>
    %gt3A_386 = vector.broadcast %broadcast_in_dim3A_381 : vector<128x1xf32> to vector<128x4096xf32>
    %gt3A_387 = arith.cmpf ogt, %select_n3A_82, %gt3A_386 : vector<128x4096xf32>
    %jit3A_388 = arith.constant 4.096000e+03 : f32
    %broadcast_in_dim3A_389 = vector.broadcast %jit3A_388 : f32 to vector<128x4096xf32>
    %select_n3A_390 = arith.select %gt3A_387, %select_n3A_82, %broadcast_in_dim3A_389 : vector<128x4096xi1>, vector<128x4096xf32>
    %reduce_min3A_391 = arith.constant dense<0x7F800000> : vector<128xf32>
    %reduce_min3A_392 = vector.multi_reduction <minimumf>, %select_n3A_390, %reduce_min3A_391 [1] : vector<128x4096xf32> to vector<128xf32>
    %broadcast_in_dim3A_393 = vector.shape_cast %reduce_min3A_392 : vector<128xf32> to vector<128x1xf32>
    %lt3A_394 = arith.constant 4.096000e+03 : f32
    %lt3A_395 = vector.broadcast %lt3A_394 : f32 to vector<128x1xf32>
    %lt3A_396 = arith.cmpf olt, %broadcast_in_dim3A_393, %lt3A_395 : vector<128x1xf32>
    %select_n3A_397 = arith.select %lt3A_396, %broadcast_in_dim3A_393, %select_n3A_96 : vector<128x1xi1>, vector<128x1xf32>
    %gt3A_398 = vector.broadcast %broadcast_in_dim3A_393 : vector<128x1xf32> to vector<128x4096xf32>
    %gt3A_399 = arith.cmpf ogt, %select_n3A_82, %gt3A_398 : vector<128x4096xf32>
    %jit3A_400 = arith.constant 4.096000e+03 : f32
    %broadcast_in_dim3A_401 = vector.broadcast %jit3A_400 : f32 to vector<128x4096xf32>
    %select_n3A_402 = arith.select %gt3A_399, %select_n3A_82, %broadcast_in_dim3A_401 : vector<128x4096xi1>, vector<128x4096xf32>
    %reduce_min3A_403 = arith.constant dense<0x7F800000> : vector<128xf32>
    %reduce_min3A_404 = vector.multi_reduction <minimumf>, %select_n3A_402, %reduce_min3A_403 [1] : vector<128x4096xf32> to vector<128xf32>
    %broadcast_in_dim3A_405 = vector.shape_cast %reduce_min3A_404 : vector<128xf32> to vector<128x1xf32>
    %lt3A_406 = arith.constant 4.096000e+03 : f32
    %lt3A_407 = vector.broadcast %lt3A_406 : f32 to vector<128x1xf32>
    %lt3A_408 = arith.cmpf olt, %broadcast_in_dim3A_405, %lt3A_407 : vector<128x1xf32>
    %select_n3A_409 = arith.select %lt3A_408, %broadcast_in_dim3A_405, %select_n3A_96 : vector<128x1xi1>, vector<128x1xf32>
    %gt3A_410 = vector.broadcast %broadcast_in_dim3A_405 : vector<128x1xf32> to vector<128x4096xf32>
    %gt3A_411 = arith.cmpf ogt, %select_n3A_82, %gt3A_410 : vector<128x4096xf32>
    %jit3A_412 = arith.constant 4.096000e+03 : f32
    %broadcast_in_dim3A_413 = vector.broadcast %jit3A_412 : f32 to vector<128x4096xf32>
    %select_n3A_414 = arith.select %gt3A_411, %select_n3A_82, %broadcast_in_dim3A_413 : vector<128x4096xi1>, vector<128x4096xf32>
    %reduce_min3A_415 = arith.constant dense<0x7F800000> : vector<128xf32>
    %reduce_min3A_416 = vector.multi_reduction <minimumf>, %select_n3A_414, %reduce_min3A_415 [1] : vector<128x4096xf32> to vector<128xf32>
    %broadcast_in_dim3A_417 = vector.shape_cast %reduce_min3A_416 : vector<128xf32> to vector<128x1xf32>
    %lt3A_418 = arith.constant 4.096000e+03 : f32
    %lt3A_419 = vector.broadcast %lt3A_418 : f32 to vector<128x1xf32>
    %lt3A_420 = arith.cmpf olt, %broadcast_in_dim3A_417, %lt3A_419 : vector<128x1xf32>
    %select_n3A_421 = arith.select %lt3A_420, %broadcast_in_dim3A_417, %select_n3A_96 : vector<128x1xi1>, vector<128x1xf32>
    %gt3A_422 = vector.broadcast %broadcast_in_dim3A_417 : vector<128x1xf32> to vector<128x4096xf32>
    %gt3A_423 = arith.cmpf ogt, %select_n3A_82, %gt3A_422 : vector<128x4096xf32>
    %jit3A_424 = arith.constant 4.096000e+03 : f32
    %broadcast_in_dim3A_425 = vector.broadcast %jit3A_424 : f32 to vector<128x4096xf32>
    %select_n3A_426 = arith.select %gt3A_423, %select_n3A_82, %broadcast_in_dim3A_425 : vector<128x4096xi1>, vector<128x4096xf32>
    %reduce_min3A_427 = arith.constant dense<0x7F800000> : vector<128xf32>
    %reduce_min3A_428 = vector.multi_reduction <minimumf>, %select_n3A_426, %reduce_min3A_427 [1] : vector<128x4096xf32> to vector<128xf32>
    %broadcast_in_dim3A_429 = vector.shape_cast %reduce_min3A_428 : vector<128xf32> to vector<128x1xf32>
    %lt3A_430 = arith.constant 4.096000e+03 : f32
    %lt3A_431 = vector.broadcast %lt3A_430 : f32 to vector<128x1xf32>
    %lt3A_432 = arith.cmpf olt, %broadcast_in_dim3A_429, %lt3A_431 : vector<128x1xf32>
    %select_n3A_433 = arith.select %lt3A_432, %broadcast_in_dim3A_429, %select_n3A_96 : vector<128x1xi1>, vector<128x1xf32>
    %gt3A_434 = vector.broadcast %broadcast_in_dim3A_429 : vector<128x1xf32> to vector<128x4096xf32>
    %gt3A_435 = arith.cmpf ogt, %select_n3A_82, %gt3A_434 : vector<128x4096xf32>
    %jit3A_436 = arith.constant 4.096000e+03 : f32
    %broadcast_in_dim3A_437 = vector.broadcast %jit3A_436 : f32 to vector<128x4096xf32>
    %select_n3A_438 = arith.select %gt3A_435, %select_n3A_82, %broadcast_in_dim3A_437 : vector<128x4096xi1>, vector<128x4096xf32>
    %reduce_min3A_439 = arith.constant dense<0x7F800000> : vector<128xf32>
    %reduce_min3A_440 = vector.multi_reduction <minimumf>, %select_n3A_438, %reduce_min3A_439 [1] : vector<128x4096xf32> to vector<128xf32>
    %broadcast_in_dim3A_441 = vector.shape_cast %reduce_min3A_440 : vector<128xf32> to vector<128x1xf32>
    %lt3A_442 = arith.constant 4.096000e+03 : f32
    %lt3A_443 = vector.broadcast %lt3A_442 : f32 to vector<128x1xf32>
    %lt3A_444 = arith.cmpf olt, %broadcast_in_dim3A_441, %lt3A_443 : vector<128x1xf32>
    %select_n3A_445 = arith.select %lt3A_444, %broadcast_in_dim3A_441, %select_n3A_96 : vector<128x1xi1>, vector<128x1xf32>
    %gt3A_446 = vector.broadcast %broadcast_in_dim3A_441 : vector<128x1xf32> to vector<128x4096xf32>
    %gt3A_447 = arith.cmpf ogt, %select_n3A_82, %gt3A_446 : vector<128x4096xf32>
    %jit3A_448 = arith.constant 4.096000e+03 : f32
    %broadcast_in_dim3A_449 = vector.broadcast %jit3A_448 : f32 to vector<128x4096xf32>
    %select_n3A_450 = arith.select %gt3A_447, %select_n3A_82, %broadcast_in_dim3A_449 : vector<128x4096xi1>, vector<128x4096xf32>
    %reduce_min3A_451 = arith.constant dense<0x7F800000> : vector<128xf32>
    %reduce_min3A_452 = vector.multi_reduction <minimumf>, %select_n3A_450, %reduce_min3A_451 [1] : vector<128x4096xf32> to vector<128xf32>
    %broadcast_in_dim3A_453 = vector.shape_cast %reduce_min3A_452 : vector<128xf32> to vector<128x1xf32>
    %lt3A_454 = arith.constant 4.096000e+03 : f32
    %lt3A_455 = vector.broadcast %lt3A_454 : f32 to vector<128x1xf32>
    %lt3A_456 = arith.cmpf olt, %broadcast_in_dim3A_453, %lt3A_455 : vector<128x1xf32>
    %select_n3A_457 = arith.select %lt3A_456, %broadcast_in_dim3A_453, %select_n3A_96 : vector<128x1xi1>, vector<128x1xf32>
    %gt3A_458 = vector.broadcast %broadcast_in_dim3A_453 : vector<128x1xf32> to vector<128x4096xf32>
    %gt3A_459 = arith.cmpf ogt, %select_n3A_82, %gt3A_458 : vector<128x4096xf32>
    %jit3A_460 = arith.constant 4.096000e+03 : f32
    %broadcast_in_dim3A_461 = vector.broadcast %jit3A_460 : f32 to vector<128x4096xf32>
    %select_n3A_462 = arith.select %gt3A_459, %select_n3A_82, %broadcast_in_dim3A_461 : vector<128x4096xi1>, vector<128x4096xf32>
    %reduce_min3A_463 = arith.constant dense<0x7F800000> : vector<128xf32>
    %reduce_min3A_464 = vector.multi_reduction <minimumf>, %select_n3A_462, %reduce_min3A_463 [1] : vector<128x4096xf32> to vector<128xf32>
    %broadcast_in_dim3A_465 = vector.shape_cast %reduce_min3A_464 : vector<128xf32> to vector<128x1xf32>
    %lt3A_466 = arith.constant 4.096000e+03 : f32
    %lt3A_467 = vector.broadcast %lt3A_466 : f32 to vector<128x1xf32>
    %lt3A_468 = arith.cmpf olt, %broadcast_in_dim3A_465, %lt3A_467 : vector<128x1xf32>
    %select_n3A_469 = arith.select %lt3A_468, %broadcast_in_dim3A_465, %select_n3A_96 : vector<128x1xi1>, vector<128x1xf32>
    %concatenate3A_470 = tpu.concatenate %select_n3A_97, %select_n3A_109, %select_n3A_121, %select_n3A_133, %select_n3A_145, %select_n3A_157, %select_n3A_169, %select_n3A_181, %select_n3A_193, %select_n3A_205, %select_n3A_217, %select_n3A_229, %select_n3A_241, %select_n3A_253, %select_n3A_265, %select_n3A_277, %select_n3A_289, %select_n3A_301, %select_n3A_313, %select_n3A_325, %select_n3A_337, %select_n3A_349, %select_n3A_361, %select_n3A_373, %select_n3A_385, %select_n3A_397, %select_n3A_409, %select_n3A_421, %select_n3A_433, %select_n3A_445, %select_n3A_457, %select_n3A_469 in 1 : vector<128x1xf32>, vector<128x1xf32>, vector<128x1xf32>, vector<128x1xf32>, vector<128x1xf32>, vector<128x1xf32>, vector<128x1xf32>, vector<128x1xf32>, vector<128x1xf32>, vector<128x1xf32>, vector<128x1xf32>, vector<128x1xf32>, vector<128x1xf32>, vector<128x1xf32>, vector<128x1xf32>, vector<128x1xf32>, vector<128x1xf32>, vector<128x1xf32>, vector<128x1xf32>, vector<128x1xf32>, vector<128x1xf32>, vector<128x1xf32>, vector<128x1xf32>, vector<128x1xf32>, vector<128x1xf32>, vector<128x1xf32>, vector<128x1xf32>, vector<128x1xf32>, vector<128x1xf32>, vector<128x1xf32>, vector<128x1xf32>, vector<128x1xf32> -> vector<128x32xf32>
    %convert_element_type3A_471 = arith.fptosi %concatenate3A_470 : vector<128x32xf32> to vector<128x32xi32>
    %mul3A_472 = arith.constant 4096 : i32
    %mul3A_473 = arith.muli %add3A_0, %mul3A_472 : i32
    %add3A_474 = vector.broadcast %mul3A_473 : i32 to vector<128x32xi32>
    %add3A_475 = arith.addi %convert_element_type3A_471, %add3A_474 : vector<128x32xi32>
    %broadcast_in_dim3A_476 = vector.shape_cast %add3A_475 : vector<128x32xi32> to vector<1x128x32xi32>
    %swap3A = arith.constant 0 : index
    %swap3A_477 = arith.constant 0 : index
    %swap3A_478 = arith.constant 0 : index
    %swap3A_479 = vector.load %arg8[%swap3A, %swap3A_477, %swap3A_478] : memref<1x128x32xi32, #tpu.memory_space<vmem>>, vector<1x128x32xi32>
    tpu.vector_store %arg8[%swap3A, %swap3A_477, %swap3A_478], %broadcast_in_dim3A_476 {strides = array<i32>} : memref<1x128x32xi32, #tpu.memory_space<vmem>>, vector<1x128x32xi32>,
    return
  }
  func.func @transform_0(%arg0: i32, %arg1: i32) -> (i32, i32) {
    %c0_i32 = arith.constant 0 : i32
    %c0_i32_0 = arith.constant 0 : i32
    %c0_i32_1 = arith.constant 0 : i32
    return %c0_i32, %c0_i32_0 : i32, i32
  }
  func.func @transform_1(%arg0: i32, %arg1: i32) -> (i32, i32) {
    %c0_i32 = arith.constant 0 : i32
    %c0_i32_0 = arith.constant 0 : i32
    %c0_i32_1 = arith.constant 0 : i32
    return %c0_i32, %c0_i32_0 : i32, i32
  }
  func.func @transform_2(%arg0: i32, %arg1: i32) -> (i32, i32) {
    %c0_i32 = arith.constant 0 : i32
    %c0_i32_0 = arith.constant 0 : i32
    %c0_i32_1 = arith.constant 0 : i32
    return %c0_i32, %c0_i32_0 : i32, i32
  }
  func.func @transform_3(%arg0: i32, %arg1: i32) -> (i32, i32) {
    %c0_i32 = arith.constant 0 : i32
    %c0_i32_0 = arith.constant 0 : i32
    %c0_i32_1 = arith.constant 0 : i32
    return %c0_i32, %c0_i32_0 : i32, i32
  }
  func.func @transform_4(%arg0: i32, %arg1: i32) -> (i32, i32) {
    %c0_i32 = arith.constant 0 : i32
    %c0_i32_0 = arith.constant 0 : i32
    %c0_i32_1 = arith.constant 0 : i32
    return %c0_i32, %c0_i32_0 : i32, i32
  }
  func.func @transform_5(%arg0: i32, %arg1: i32) -> (i32, i32) {
    %c0_i32 = arith.constant 0 : i32
    %c0_i32_0 = arith.constant 0 : i32
    %c0_i32_1 = arith.constant 0 : i32
    return %c0_i32, %c0_i32_0 : i32, i32
  }
  func.func @transform_6(%arg0: i32, %arg1: i32) -> (i32, i32, i32) {
    %c0_i32 = arith.constant 0 : i32
    %c0_i32_0 = arith.constant 0 : i32
    return %arg0, %arg1, %c0_i32 : i32, i32, i32
  }
}

module attributes {stable_mosaic.version = 14 : i64} {
  func.func @_mlp_body(%arg0: i32, %arg1: memref<4096x128xf32, #tpu.memory_space<vmem>>, %arg2: memref<128x8xf32, #tpu.memory_space<vmem>>, %arg3: memref<128x128xf32, #tpu.memory_space<vmem>>, %arg4: memref<8x128xf32, #tpu.memory_space<vmem>>, %arg5: memref<128x256xf32, #tpu.memory_space<vmem>>, %arg6: memref<8x256xf32, #tpu.memory_space<vmem>>, %arg7: memref<256x256xf32, #tpu.memory_space<vmem>>, %arg8: memref<8x256xf32, #tpu.memory_space<vmem>>, %arg9: memref<128x256xf32, #tpu.memory_space<vmem>>) attributes {dimension_semantics = [#tpu.dimension_semantics<arbitrary>], iteration_bounds = array<i64: 16>, scalar_prefetch = 0 : i64, scratch_operands = 0 : i64, tpu.core_type = #tpu.core_type<tc>, window_params = [{transform_indices = @transform_0, window_bounds = array<i64: 4096, 128>}, {transform_indices = @transform_1, window_bounds = array<i64: 128, 8>}, {pipeline_mode = #tpu.pipeline_mode<synchronous>, transform_indices = @transform_2, window_bounds = array<i64: 128, 128>}, {pipeline_mode = #tpu.pipeline_mode<synchronous>, transform_indices = @transform_3, window_bounds = array<i64: 8, 128>}, {pipeline_mode = #tpu.pipeline_mode<synchronous>, transform_indices = @transform_4, window_bounds = array<i64: 128, 256>}, {pipeline_mode = #tpu.pipeline_mode<synchronous>, transform_indices = @transform_5, window_bounds = array<i64: 8, 256>}, {pipeline_mode = #tpu.pipeline_mode<synchronous>, transform_indices = @transform_6, window_bounds = array<i64: 256, 256>}, {pipeline_mode = #tpu.pipeline_mode<synchronous>, transform_indices = @transform_7, window_bounds = array<i64: 8, 256>}, {transform_indices = @transform_8, window_bounds = array<i64: 128, 256>}]} {
    %get3A = arith.constant 0 : index
    %get3A_0 = arith.constant 0 : index
    %get3A_1 = vector.load %arg2[%get3A, %get3A_0] : memref<128x8xf32, #tpu.memory_space<vmem>>, vector<128x8xf32>
    %get3A_2 = arith.constant 0 : index
    %get3A_3 = arith.constant 0 : index
    %get3A_4 = vector.load %arg4[%get3A_2, %get3A_3] : memref<8x128xf32, #tpu.memory_space<vmem>>, vector<8x128xf32>
    %dot_general3A = arith.constant dense<0.000000e+00> : vector<128x128xf32>
    %dot_general3A_5 = tpu.matmul %get3A_1, %get3A_4, %dot_general3A {dimension_numbers = #tpu.dot_dimension_numbers<[1], [0], [0], [1], [0, 0, 1, 1], [], []>, transpose_lhs_hint = false} : vector<128x8xf32>, vector<8x128xf32>, vector<128x128xf32> -> vector<128x128xf32>
    %get3A_6 = arith.constant 0 : index
    %get3A_7 = arith.constant 0 : index
    %get3A_8 = vector.load %arg1[%get3A_6, %get3A_7] : memref<4096x128xf32, #tpu.memory_space<vmem>>, vector<4096x128xf32>
    %get3A_9 = arith.constant 0 : index
    %get3A_10 = arith.constant 0 : index
    %get3A_11 = vector.load %arg3[%get3A_9, %get3A_10] : memref<128x128xf32, #tpu.memory_space<vmem>>, vector<128x128xf32>
    %dot_general3A_12 = arith.constant dense<0.000000e+00> : vector<4096x128xf32>
    %dot_general3A_13 = tpu.matmul %get3A_8, %get3A_11, %dot_general3A_12 {dimension_numbers = #tpu.dot_dimension_numbers<[1], [0], [0], [1], [0, 0, 1, 1], [], []>, transpose_lhs_hint = false} : vector<4096x128xf32>, vector<128x128xf32>, vector<4096x128xf32> -> vector<4096x128xf32>
    %reshape3A = vector.shape_cast %dot_general3A_13 : vector<4096x128xf32> to vector<128x32x128xf32>
    %broadcast_in_dim3A = vector.shape_cast %dot_general3A_5 : vector<128x128xf32> to vector<128x1x128xf32>
    %add3A = vector.broadcast %broadcast_in_dim3A : vector<128x1x128xf32> to vector<128x32x128xf32>
    %add3A_14 = arith.addf %reshape3A, %add3A : vector<128x32x128xf32>
    %max3A = arith.constant 0.000000e+00 : f32
    %max3A_15 = vector.broadcast %max3A : f32 to vector<128x32x128xf32>
    %max3A_16 = arith.maximumf %add3A_14, %max3A_15 : vector<128x32x128xf32>
    %reshape3A_17 = vector.shape_cast %max3A_16 : vector<128x32x128xf32> to vector<4096x128xf32>
    %get3A_18 = arith.constant 0 : index
    %get3A_19 = arith.constant 0 : index
    %get3A_20 = vector.load %arg5[%get3A_18, %get3A_19] : memref<128x256xf32, #tpu.memory_space<vmem>>, vector<128x256xf32>
    %dot_general3A_21 = arith.constant dense<0.000000e+00> : vector<4096x256xf32>
    %dot_general3A_22 = tpu.matmul %reshape3A_17, %get3A_20, %dot_general3A_21 {dimension_numbers = #tpu.dot_dimension_numbers<[1], [0], [0], [1], [0, 0, 1, 1], [], []>, transpose_lhs_hint = false} : vector<4096x128xf32>, vector<128x256xf32>, vector<4096x256xf32> -> vector<4096x256xf32>
    %get3A_23 = arith.constant 0 : index
    %get3A_24 = arith.constant 0 : index
    %get3A_25 = vector.load %arg6[%get3A_23, %get3A_24] : memref<8x256xf32, #tpu.memory_space<vmem>>, vector<1x256xf32>
    %add3A_26 = vector.broadcast %get3A_25 : vector<1x256xf32> to vector<4096x256xf32>
    %add3A_27 = arith.addf %dot_general3A_22, %add3A_26 : vector<4096x256xf32>
    %max3A_28 = arith.constant 0.000000e+00 : f32
    %max3A_29 = vector.broadcast %max3A_28 : f32 to vector<4096x256xf32>
    %max3A_30 = arith.maximumf %add3A_27, %max3A_29 : vector<4096x256xf32>
    %get3A_31 = arith.constant 0 : index
    %get3A_32 = arith.constant 0 : index
    %get3A_33 = vector.load %arg7[%get3A_31, %get3A_32] : memref<256x256xf32, #tpu.memory_space<vmem>>, vector<256x256xf32>
    %dot_general3A_34 = arith.constant dense<0.000000e+00> : vector<4096x256xf32>
    %dot_general3A_35 = tpu.matmul %max3A_30, %get3A_33, %dot_general3A_34 {dimension_numbers = #tpu.dot_dimension_numbers<[1], [0], [0], [1], [0, 0, 1, 1], [], []>, transpose_lhs_hint = false} : vector<4096x256xf32>, vector<256x256xf32>, vector<4096x256xf32> -> vector<4096x256xf32>
    %get3A_36 = arith.constant 0 : index
    %get3A_37 = arith.constant 0 : index
    %get3A_38 = vector.load %arg8[%get3A_36, %get3A_37] : memref<8x256xf32, #tpu.memory_space<vmem>>, vector<1x256xf32>
    %add3A_39 = vector.broadcast %get3A_38 : vector<1x256xf32> to vector<4096x256xf32>
    %add3A_40 = arith.addf %dot_general3A_35, %add3A_39 : vector<4096x256xf32>
    %max3A_41 = arith.constant 0.000000e+00 : f32
    %max3A_42 = vector.broadcast %max3A_41 : f32 to vector<4096x256xf32>
    %max3A_43 = arith.maximumf %add3A_40, %max3A_42 : vector<4096x256xf32>
    %reshape3A_44 = vector.shape_cast %max3A_43 : vector<4096x256xf32> to vector<128x32x256xf32>
    %reduce_max3A = arith.constant dense<0xFF800000> : vector<128x256xf32>
    %reduce_max3A_45 = vector.multi_reduction <maximumf>, %reshape3A_44, %reduce_max3A [1] : vector<128x32x256xf32> to vector<128x256xf32>
    %swap3A = arith.constant 0 : index
    %swap3A_46 = arith.constant 0 : index
    %swap3A_47 = vector.load %arg9[%swap3A, %swap3A_46] : memref<128x256xf32, #tpu.memory_space<vmem>>, vector<128x256xf32>
    tpu.vector_store %arg9[%swap3A, %swap3A_46], %reduce_max3A_45 {strides = array<i32>} : memref<128x256xf32, #tpu.memory_space<vmem>>, vector<128x256xf32>,
    return
  }
  func.func @transform_0(%arg0: i32) -> (i32, i32) {
    %c0_i32 = arith.constant 0 : i32
    %c0_i32_0 = arith.constant 0 : i32
    return %arg0, %c0_i32 : i32, i32
  }
  func.func @transform_1(%arg0: i32) -> (i32, i32) {
    %c0_i32 = arith.constant 0 : i32
    %c0_i32_0 = arith.constant 0 : i32
    return %arg0, %c0_i32 : i32, i32
  }
  func.func @transform_2(%arg0: i32) -> (i32, i32) {
    %c0_i32 = arith.constant 0 : i32
    %c0_i32_0 = arith.constant 0 : i32
    %c0_i32_1 = arith.constant 0 : i32
    return %c0_i32, %c0_i32_0 : i32, i32
  }
  func.func @transform_3(%arg0: i32) -> (i32, i32) {
    %c0_i32 = arith.constant 0 : i32
    %c0_i32_0 = arith.constant 0 : i32
    %c0_i32_1 = arith.constant 0 : i32
    return %c0_i32, %c0_i32_0 : i32, i32
  }
  func.func @transform_4(%arg0: i32) -> (i32, i32) {
    %c0_i32 = arith.constant 0 : i32
    %c0_i32_0 = arith.constant 0 : i32
    %c0_i32_1 = arith.constant 0 : i32
    return %c0_i32, %c0_i32_0 : i32, i32
  }
  func.func @transform_5(%arg0: i32) -> (i32, i32) {
    %c0_i32 = arith.constant 0 : i32
    %c0_i32_0 = arith.constant 0 : i32
    %c0_i32_1 = arith.constant 0 : i32
    return %c0_i32, %c0_i32_0 : i32, i32
  }
  func.func @transform_6(%arg0: i32) -> (i32, i32) {
    %c0_i32 = arith.constant 0 : i32
    %c0_i32_0 = arith.constant 0 : i32
    %c0_i32_1 = arith.constant 0 : i32
    return %c0_i32, %c0_i32_0 : i32, i32
  }
  func.func @transform_7(%arg0: i32) -> (i32, i32) {
    %c0_i32 = arith.constant 0 : i32
    %c0_i32_0 = arith.constant 0 : i32
    %c0_i32_1 = arith.constant 0 : i32
    return %c0_i32, %c0_i32_0 : i32, i32
  }
  func.func @transform_8(%arg0: i32) -> (i32, i32) {
    %c0_i32 = arith.constant 0 : i32
    %c0_i32_0 = arith.constant 0 : i32
    return %arg0, %c0_i32 : i32, i32
  }
}

</mosaic_0001>

<sc_bundles>
// kernel: kernel.12.cloned.1.call-start
scs
__scs_entry_jumppad:
0x0: {  	(pc) =	sbr.rel $0x88, $3  }
0x1: {  	(tag) =	ssettag $0x0;
	lr =	simm.s32 $0x1  }
0x2: {  	[smem:$0x3F9A] =	sst lr;
	_ =	strace $0xD0000000  }
0x3: {  	_ = 	snop  }
0x4: {  	_ = 	snop  }
0x5: {  	_ = 	snop  }
0x6: {  	_ = 	snop  }
0x7: {  	_ = 	snop  }
__scs_overlays_trampoline_lowered:
0x8: {  	[smem:$0x3FA9] =	sst s0  }
0x9: {  	[smem:$0x3FAA] =	sst s1  }
0xa: {  	[smem:$0x3FAB] =	sst s2  }
0xb: {  	[smem:$0x3FAC] =	sst s3  }
0xc: {  	[smem:$0x3FAD] =	sst s4  }
0xd: {  	[smem:$0x3FAE] =	sst s5  }
0xe: {  	[smem:$0x3FAF] =	sst s6  }
0xf: {  	[smem:$0x3FB0] =	sst s7  }
0x10: {  	[smem:$0x3FB1] =	sst s8  }
0x11: {  	[smem:$0x3FB2] =	sst s9;
	s0 =	simm.s32 @!p0 $0x0  }
0x12: {  	s1 =	sld [smem:$0x3F98];
	s0 =	simm.s32 @p0 $0x1  }
0x13: {  	[smem:$0x3FB3] =	sst s0;
	s0 =	simm.s32 @!p1 $0x0  }
0x14: {  	s2 =	sld [smem:$0x3F97];
	s0 =	simm.s32 @p1 $0x1  }
0x15: {  	[smem:$0x3FB4] =	sst s0;
	s0 =	simm.s32 @!p2 $0x0  }
0x16: {  	s3 =	sld [smem:$0x3FDB];
	s0 =	simm.s32 @p2 $0x1  }
0x17: {  	s4 =	simm.s32 $0x1BF5;
	[smem:$0x3FB6] =	sst s0  }
0x18: {  	s0 =	sld [smem:$0x3F99];
	_ =	swait.ge [sflag:s4], $0x0  }
0x19: {  	s7 =	sld [smem:$0x3F9A]  }
0x1a: {  	s8 =	sadd.s32 $0xFFFFE003, lr  }
0x1b: {  	s9 =	sadd.s32 $0xFFFFFEF7, lr;
	s5 =	simm.s32 $0xFFFFFFFF;
	p2 =	slt.u32 s8, $0xFFFFF086  }
0x1c: {  	p1 =	slt.u32 s9, $0xF7A;
	s5 =	simm.s32 @!p2 $0x0  }
0x1d: {  	s5 =	simm.s32 @p1 $0x1;
	p0 =	seq.s32 s7, s2  }
0x1e: {  	s7 =	smul.u32 @!p0 $0xF7A, s2;
	p2 =	seq.s32 @!p0 s5, $0x0  }
0x1f: {  	s9 =	smul.u32 $0xF7A, s1;
	s8 =	simm.s32 @!p0 $0x1BF5;
	p2 =	por !p2, p0  }
0x20: {  	[sflag:s8] =	ssyncset.s32 @!p0 $0xFFFFF086;
	s6 =	sadd.s32 @!p0 s3, s7;
	s7 =	simm.s32 @!p0 $0x108  }
0x21: {  	s3 =	sadd.s32 s3, s9;
	s6 =	sadd.s32 @!p0 $0x88, s6;
	s7 =	simm.s32 @p2 $0x1082  }
0x22: {  	[simem:s7], [sflag:s8] =	dma.local @!p0 [hbm:s6], $0xF7A  }
0x23: {  	s9 =	sor.u32 $0xD0000000, s2;
	s6 =	simm.s32 $0x108;
	_ =	swait.ge @!p0 [sflag:s8], $0x0  }
0x24: {  	s3 =	sadd.s32 $0x88, s3;
	s6 =	simm.s32 @!p1 $0x1082;
	[sflag:s4] =	ssyncset.s32 $0xFFFFF086  }
0x25: {  	[simem:s6], [sflag:s4] =	dma.local [hbm:s3], $0xF7A  }
0x26: {  	[smem:$0x3F9A] =	sst s1;
	(tag) =	ssettag s2;
	_ =	strace s9  }
0x27: {  	s1 =	sld [smem:$0x3FAA]  }
0x28: {  	s2 =	sld [smem:$0x3FAB]  }
0x29: {  	s4 =	sld [smem:$0x3FAD]  }
0x2a: {  	p0 =	seq.s32 s5, $0x0;
	s5 =	sld [smem:$0x3FAE]  }
0x2b: {  	s6 =	sld [smem:$0x3FAF]  }
0x2c: {  	s7 =	sld [smem:$0x3FB0]  }
0x2d: {  	s3 =	simm.s32 $0x108;
	s8 =	sld [smem:$0x3FB1]  }
0x2e: {  	s3 =	simm.s32 @!p0 $0x1082;
	s9 =	sld [smem:$0x3FB2]  }
0x2f: {  	lr =	sadd.s32 s0, s3;
	s0 =	sld [smem:$0x3FA9]  }
0x30: {  	s3 =	sld [smem:$0x3FAC]  }
0x31: {  	[smem:$0x3FB5] =	sst s10  }
0x32: {  	s10 =	sld [smem:$0x3FB3];
	_ =	sdelay $0x3  }
0x33: {  	p0 =	seq.s32 s10, $0x1;
	s10 =	sld [smem:$0x3FB5];
	_ =	sdelay $0x3  }
0x34: {  	[smem:$0x3FB5] =	sst s10  }
0x35: {  	s10 =	sld [smem:$0x3FB4];
	_ =	sdelay $0x3  }
0x36: {  	p1 =	seq.s32 s10, $0x1;
	s10 =	sld [smem:$0x3FB5];
	_ =	sdelay $0x3  }
0x37: {  	[smem:$0x3FB5] =	sst s10  }
0x38: {  	s10 =	sld [smem:$0x3FB6]  }
0x39: {  	_ = 	snop;
	(pc) =	sbr.ind lr, $3  }
0x3a: {  	_ = 	snop  }
0x3b: {  	_ = 	snop  }
0x3c: {  	p2 =	seq.s32 s10, $0x1;
	s10 =	sld [smem:$0x3FB5]  }
0x3d: {  	_ =	shalt  }
0x3e: {  	_ =	shalt  }
0x3f: {  	_ =	shalt  }
0x40: {  	_ =	shalt  }
0x41: {  	_ =	shalt  }
0x42: {  	_ =	shalt  }
0x43: {  	_ =	shalt  }
0x44: {  	_ =	shalt  }
0x45: {  	_ =	shalt  }
0x46: {  	_ =	shalt  }
0x47: {  	_ =	shalt  }
0x48: {  	_ =	shalt  }
0x49: {  	_ =	shalt  }
0x4a: {  	_ =	shalt  }
0x4b: {  	_ =	shalt  }
0x4c: {  	_ =	shalt  }
0x4d: {  	_ =	shalt  }
0x4e: {  	_ =	shalt  }
0x4f: {  	_ =	shalt  }
0x50: {  	_ =	shalt  }
0x51: {  	_ =	shalt  }
0x52: {  	_ =	shalt  }
0x53: {  	_ =	shalt  }
0x54: {  	_ =	shalt  }
0x55: {  	_ =	shalt  }
0x56: {  	_ =	shalt  }
0x57: {  	_ =	shalt  }
0x58: {  	_ =	shalt  }
0x59: {  	_ =	shalt  }
0x5a: {  	_ =	shalt  }
0x5b: {  	_ =	shalt  }
0x5c: {  	_ =	shalt  }
0x5d: {  	_ =	shalt  }
0x5e: {  	_ =	shalt  }
0x5f: {  	_ =	shalt  }
0x60: {  	_ =	shalt  }
0x61: {  	_ =	shalt  }
0x62: {  	_ =	shalt  }
0x63: {  	_ =	shalt  }
0x64: {  	_ =	shalt  }
0x65: {  	_ =	shalt  }
0x66: {  	_ =	shalt  }
0x67: {  	_ =	shalt  }
0x68: {  	_ =	shalt  }
0x69: {  	_ =	shalt  }
0x6a: {  	_ =	shalt  }
0x6b: {  	_ =	shalt  }
0x6c: {  	_ =	shalt  }
0x6d: {  	_ =	shalt  }
0x6e: {  	_ =	shalt  }
0x6f: {  	_ =	shalt  }
0x70: {  	_ =	shalt  }
0x71: {  	_ =	shalt  }
0x72: {  	_ =	shalt  }
0x73: {  	_ =	shalt  }
0x74: {  	_ =	shalt  }
0x75: {  	_ =	shalt  }
0x76: {  	_ =	shalt  }
0x77: {  	_ =	shalt  }
0x78: {  	_ =	shalt  }
0x79: {  	_ =	shalt  }
0x7a: {  	_ =	shalt  }
0x7b: {  	_ =	shalt  }
0x7c: {  	_ =	shalt  }
0x7d: {  	_ =	shalt  }
0x7e: {  	_ =	shalt  }
0x7f: {  	_ =	shalt  }
0x80: {  	_ =	shalt  }
0x81: {  	_ =	shalt  }
0x82: {  	_ =	shalt  }
0x83: {  	_ =	shalt  }
0x84: {  	_ =	shalt  }
0x85: {  	_ =	shalt  }
0x86: {  	_ =	shalt  }
0x87: {  	_ =	shalt  }
.Lfunc_end0:
.L_simem_size_0:
called_computation.1_lowered:
.L_overlay_start_0:
0x88: {  	s2 =	sld [smem:$0x3FD9]  }
0x89: {  	s3 =	sld [smem:$0x3FFE];
	_ =	sdelay $0x1  }
0x8a: {  	s1 =	srdreg.scid  }
0x8b: {  	s0 =	sand.u32 $0x1, s1  }
0x8c: {  	s17 =	sshll.u32 s0, $0xA;
	s2 =	sadd.s32 s3, s2  }
0x8d: {  	s2 =	sadd.s32 s2, s17  }
0x8e: {  	[smem:$0x3FC1] =	sst s2  }
0x8f: {  	_ = 	snop  }
0x90: {  	s18 =	sld [smem:$0x3FD0];
	(tm) =	ssettm $0x1  }
0x91: {  	s19 =	sld [smem:$0x3FFB];
	_ =	sdelay $0x3  }
0x92: {  	_ =	strace s19  }
0x93: {  	s2 =	sld [smem:$0x3FFC];
	_ =	sdelay $0x3  }
0x94: {  	_ =	strace s2  }
0x95: {  	s2 =	sld [smem:$0x3FFD];
	_ =	sdelay $0x3  }
0x96: {  	_ =	strace s2  }
0x97: {  	_ =	strace $0x8FFFFFFF  }
0x98: {  	s20 =	sld [smem:$0x3FDB];
	_ =	sdelay $0x1  }
0x99: {  	s4 =	simm.s32 $_scs_section_size  }
0x9a: {  	s5 =	simm.s32 $_size__tile_overlayer_lowered;
	s6 =	simm.s32 $_tile_overlayer_lowered  }
0x9b: {  	s7 =	simm.s32 $0x1BFF;
	s21 =	sshll.u32 s6, $0x1;
	s4 =	sadd.s32 s4, s20  }
0x9c: {  	s22 =	simm.s32 $0x0;
	s5 =	sshll.u32 s5, $0x1;
	s6 =	sadd.s32 s21, s4  }
0x9d: {  	[timem:s22], [sflag:s7] =	dma.local [hbm:s6], s5  }
0x9e: {  	_ =	swait.ge [sflag:s7], s5  }
0x9f: {  	s5 =	ssub.s32 $0x0, s5;
	[sflag:s7] =	ssyncset.done $0x0  }
0xa0: {  	[sflag:s7] =	ssyncadd.s32 s5;
	_ =	sdelay $0x1  }
0xa1: {  	s23 =	simm.s32 $0x1B8B  }
0xa2: {  	_ =	swait.ge [sflag:s23], $0x1  }
0xa3: {  	[sflag:s23] =	ssyncset.done $0x0  }
0xa4: {  	[sflag:s23] =	ssyncadd.s32 $0xFFFFFFFF  }
0xa5: {  	s5 =	sld [smem:$0x0]  }
0xa6: {  	s6 =	sand.u32 $0xFFFFFFFE, s1  }
0xa7: {  	p0 =	sne.s32 s1, s6  }
0xa8: {  	s6 =	sshll.u32 @p0 s6, $0xE  }
0xa9: {  	s6 =	sadd.s32 @p0 $0x11B8D, s6;
	s7 =	sshll.u32 @p0 s5, $0x11  }
0xaa: {  	s6 =	sor.u32 @p0 s7, s6  }
0xab: {  	[sflag:s6] =	ssyncadd.remote.s32 @p0 $0x1;
	_ =	sdelay $0x1  }
0xac: {  	s6 =	simm.s32 @p0 $0x1B8D  }
0xad: {  	_ =	swait.eq @p0 [sflag:s6], $0x1  }
0xae: {  	[sflag:s6] =	ssyncadd.s32 @p0 $0xFFFFFFFF  }
0xaf: {  	s7 =	sshll.u32 @!p0 s1, $0xE  }
0xb0: {  	s7 =	sor.u32 @!p0 $0x4000, s7;
	s6 =	simm.s32 @!p0 $0x1B8D  }
0xb1: {  	s5 =	sshll.u32 @!p0 s5, $0x11;
	s7 =	sadd.s32 @!p0 $0x11B8D, s7;
	_ =	swait.eq @!p0 [sflag:s6], $0x1  }
0xb2: {  	s5 =	sor.u32 @!p0 s5, s7;
	[sflag:s6] =	ssyncadd.s32 @!p0 $0xFFFFFFFF  }
0xb3: {  	s25 =	simm.s32 $0x1B8E;
	s24 =	sld [smem:$0x3FFE];
	[sflag:s5] =	ssyncadd.remote.s32 @!p0 $0x1  }
0xb4: {  	s26 =	simm.s32 $execute0_lowered;
	[smem:$0x3FD2] =	sst s25  }
0xb5: {  	s6 =	sshll.u32 s26, $0x1;
	_ =	strace $0x80000049;
	[dreg:$0x1] =	wrdreg $0xFFFFFFFF  }
0xb6: {  	s28 =	simm.s32 $_size_execute0_lowered;
	s4 =	sadd.s32 s4, s6;
	[dreg:$0x0] =	wrdreg $0x0  }
0xb7: {  	s6 =	sshll.u32 s28, $0x1;
	[dreg:$0x2] =	wrdreg s4  }
0xb8: {  	[dreg:$0x3] =	wrdreg s6  }
0xb9: {  	[dreg:$0x4] =	wrdreg $0xC0  }
0xba: {  	_ =	task [dreg:s22], $0x5FFFF  }
0xbb: {  	[dreg:$0x1] =	wrdreg $0xFFFFFFFF  }
0xbc: {  	[dreg:$0x0] =	wrdreg $0x60  }
0xbd: {  	[dreg:$0x2] =	wrdreg s24  }
0xbe: {  	[dreg:$0x3] =	wrdreg s18  }
0xbf: {  	[dreg:$0x4] =	wrdreg $0xA  }
0xc0: {  	_ =	task.clear_ibuf [dreg:s22], $0x5FFFF;
	_ =	strace $0x90000049  }
0xc1: {  	s29 =	simm.s32 $0xA;
	_ =	strace $0x8000004B  }
0xc2: {  	_ =	swait.ge [sflag:s29], $0x1  }
0xc3: {  	[sflag:s29] =	ssyncadd.s32 $0xFFFFFFFF  }
0xc4: {  	_ =	strace $0x9000004B  }
0xc5: {  	_ =	sfence  }
0xc6: {  	s30 =	sld [smem:$0x0];
	_ =	sdelay $0x2  }
0xc7: {  	s31 =	sshll.u32 s1, $0xD;
	s1 =	sshrl.u32 s1, $0x2  }
0xc8: {  	s4 =	sand.u32 $0x4000, s31;
	s1 =	sadd.s32 s1, s30  }
0xc9: {  	s0 =	sor.u32 s4, s0;
	s1 =	sshll.u32 s1, $0x11  }
0xca: {  	s0 =	sor.u32 s1, s0  }
0xcb: {  	s0 =	sadd.s32 $0x8F2B, s0  }
0xcc: {  	[sflag:s0] =	ssyncadd.remote.s32 $0x1  }
0xcd: {  	_ =	sfence.sel $0xFFFF  }
0xce: {  	[dreg:$0x0] =	wrdreg $0xFFFFFFFF;
	(pc) =	sbr.abs _section_cstart, $3  }
0xcf: {  	[dreg:$0x1] =	wrdreg $0xFFFFFFFF  }
0xd0: {  	_ =	task.clear_ibuf [dreg:s22], $0x2FFFF;
	_ =	strace $0x9FFFFFFF  }
0xd1: {  	(tm) =	ssettm $0x7FFFFFFF  }
tec
execute0_lowered:
.L_overlay_start_1:
0x0: {  	(tag) =	ssettag $0x1  }
0x1: {  	s4 =	rddreg [dreg:$0x0]  }
0x2: {  	s6 =	rddreg [dreg:$0x1]  }
0x3: {  	s0 =	rddreg [dreg:$0x2];
	s2 =	simm.s32 $0x0;
	s1 =	stileid.u32  }
0x4: {  	s3 =	srdreg.scid;
	[smem:$0x7FF] =	sst s2  }
0x5: {  	s5 =	sshll.u32 s1, $0x10;
	s7 =	sand.u32 $0x1, s3;
	s3 =	sadd.s32 $0x3A00, s4  }
0x6: {  	s9 =	sshll.u32 s1, $0xC;
	_ =	strace $0x8000004A;
	s5 =	sadd.s32 s5, s4  }
0x7: {  	s29 =	ssub.s32 $0x2, s7;
	s10 =	sshll.u32 s7, $0xB;
	s7 =	sshll.u32 s7, $0xF  }
0x8: {  	s8 =	sshrl.u32 s29, $0x1;
	s30 =	sor.u32 s10, s9;
	s5 =	sadd.s32 s7, s5  }
0x9: {  	s7 =	simm.s32 $0x2;
	s9 =	simm.s32 $0x1;
	s10 =	simm.s32 $0x0  }
0xa: {  	s4 =	ssub.s32 s29, s8;
	s31 =	sshrl.u32 s30, $0x3;
	s5 =	sadd.s32 $0x183A00, s5  }
0xb: {  	s8 =	simm.s32 $0x80;
	s4 =	smax.u32 s4, $0x1;
	s6 =	sadd.s32 s31, s6  }
.LBB2_1:
0xc: {  	s11 =	sadd.s32 $0x0, s6  }
0xd: {  	[tilespmem:s2], [sflag:$0x2] =	stream.linear.gather [hbm4b:s11+s2], $0x80, $0x38;
	[tilespmem:$0x4080] =	vst v63  }
0xe: {  	_ =	swait.ge [sflag:s7], $0x80  }
0xf: {  	[sflag:s7] =	ssyncset.done $0x0  }
0x10: {  	[sflag:s7] =	ssyncadd.s32 $0xFFFFFF80  }
0x11: {  	[tilespmem:s8], [sflag:$0x1] =	stream.indirect.gather [hbm4b:s3+s8], $0x80, s2, s8, $0xb8;
	[tilespmem:$0x4080] =	vst v63  }
0x12: {  	_ =	swait.ge [sflag:s9], $0x4000  }
0x13: {  	[sflag:s9] =	ssyncset.done $0x0  }
0x14: {  	[sflag:s9] =	ssyncadd.s32 $0xFFFFC000  }
0x15: {  	[hbm4b:s5+s2] =	stream.linear.scatter [tilespmem:s8], [sflag:$0x2], $0x4000, $0x38;
	[tilespmem:$0x4080] =	vst v63  }
0x16: {  	s12 =	simm.s32 $0x10;
	_ =	swait.ge [sflag:s7], $0x4000  }
0x17: {  	s13 =	simm.s32 $0x20;
	s11 =	sadd.s32 $0x800, s5;
	[sflag:s7] =	ssyncset.done $0x0  }
.LBB2_2:
0x18: {  	s14 =	sadd.s32 s12, s6  }
0x19: {  	[sflag:s7] =	ssyncadd.s32 $0xFFFFC000;
	s12 =	smov.u32 s13;
	s15 =	sadd.s32 $0x10, s13  }
0x1a: {  	[tilespmem:s2], [sflag:$0x2] =	stream.linear.gather [hbm4b:s14+s2], $0x80, $0x38;
	[tilespmem:$0x4080] =	vst v63  }
0x1b: {  	p0 =	sne.s32 s13, $0xF0;
	_ =	swait.ge [sflag:s7], $0x80  }
0x1c: {  	[sflag:s7] =	ssyncset.done $0x0  }
0x1d: {  	[sflag:s7] =	ssyncadd.s32 $0xFFFFFF80  }
0x1e: {  	[tilespmem:s8], [sflag:$0x1] =	stream.indirect.gather [hbm4b:s3+s8], $0x80, s2, s8, $0xb8;
	[tilespmem:$0x4080] =	vst v63  }
0x1f: {  	_ =	swait.ge [sflag:s9], $0x4000  }
.Ltmp0:
0x20: {  	[sflag:s9] =	ssyncset.done $0x0;
	(pc) =	sbr.rel @p0 .LBB2_2-.Ltmp0, $4  }
0x21: {  	[sflag:s9] =	ssyncadd.s32 $0xFFFFC000  }
0x22: {  	[hbm4b:s11+s2] =	stream.linear.scatter [tilespmem:s8], [sflag:$0x2], $0x4000, $0x38;
	[tilespmem:$0x4080] =	vst v63  }
0x23: {  	_ =	swait.ge [sflag:s7], $0x4000  }
0x24: {  	s13 =	smov.u32 s15;
	s11 =	sadd.s32 $0x800, s11;
	[sflag:s7] =	ssyncset.done $0x0  }
0x25: {  	s12 =	sadd.s32 s12, s6;
	[sflag:s7] =	ssyncadd.s32 $0xFFFFC000  }
0x26: {  	[tilespmem:s2], [sflag:$0x2] =	stream.linear.gather [hbm4b:s12+s2], $0x80, $0x38;
	[tilespmem:$0x4080] =	vst v63  }
0x27: {  	_ =	swait.ge [sflag:s7], $0x80  }
0x28: {  	[sflag:s7] =	ssyncset.done $0x0  }
0x29: {  	[sflag:s7] =	ssyncadd.s32 $0xFFFFFF80  }
0x2a: {  	[tilespmem:s8], [sflag:$0x1] =	stream.indirect.gather [hbm4b:s3+s8], $0x80, s2, s8, $0xb8;
	[tilespmem:$0x4080] =	vst v63  }
0x2b: {  	s10 =	sadd.s32 $0x1, s10;
	_ =	swait.ge [sflag:s9], $0x4000  }
0x2c: {  	p0 =	sne.s32 s10, s4;
	[sflag:s9] =	ssyncset.done $0x0  }
.Ltmp1:
0x2d: {  	[sflag:s9] =	ssyncadd.s32 $0xFFFFC000;
	(pc) =	sbr.rel @p0 .LBB2_1-.Ltmp1, $4  }
0x2e: {  	[hbm4b:s11+s2] =	stream.linear.scatter [tilespmem:s8], [sflag:$0x2], $0x4000, $0x38;
	[tilespmem:$0x4080] =	vst v63  }
0x2f: {  	_ =	swait.ge [sflag:s7], $0x4000  }
0x30: {  	[sflag:s7] =	ssyncset.done $0x0  }
0x31: {  	[sflag:s7] =	ssyncadd.s32 $0xFFFFC000  }
0x32: {  	_ =	sfence.sel $0x180000  }
0x33: {  	[bflag:$0x0] =	sbarrier.arrive $0xFFFF  }
0x34: {  	p0 =	sne.s32 s1, $0x0;
	_ =	strace $0x9000004A  }
0x35: {  	s0 =	sadd.s32 @!p0 $0x100000, s0;
	[bflag:$0x2] =	sbarrier.arrive $0xFFFF  }
0x36: {  	[sflag:s0] =	ssyncadd.tile.s32 @!p0 $0x1;
	_ =	shalt  }
.Lfunc_end2:
_tile_overlayer_lowered:
.L_overlay_start_2:
0x37: {  	(tag) =	ssettag $0x2  }
0x38: {  	s0 =	rddreg [dreg:$0x0];
	s2 =	stileid.u32  }
0x39: {  	s1 =	rddreg [dreg:$0x1];
	p0 =	sne.s32 s2, $0x0  }
0x3a: {  	s3 =	rddreg [dreg:$0x2];
	[bflag:$0x3] =	sbarrier.arrive $0xFFFF;
	s2 =	simm.s32 @!p0 $0x1C02  }
0x3b: {  	[timem:s3], [sflag:s2] =	dma.local @!p0 [hbm:s0], s1  }
0x3c: {  	s0 =	simm.s32 @!p0 $0x2  }
0x3d: {  	_ =	swait.ge @!p0 [sflag:s0], s1  }
0x3e: {  	s1 =	ssub.s32 @!p0 $0x0, s1;
	[sflag:s0] =	ssyncset.done @!p0 $0x0  }
0x3f: {  	[sflag:s0] =	ssyncadd.s32 @!p0 s1  }
0x40: {  	[bflag:$0x3] =	sbarrier.arrive $0xFFFF  }
0x41: {  	_ =	shalt  }

// kernel: kernel.9.cloned.1.call-start
scs
__scs_entry_jumppad:
0x0: {  	(pc) =	sbr.rel $0x88, $3  }
0x1: {  	(tag) =	ssettag $0x0;
	lr =	simm.s32 $0x1  }
0x2: {  	[smem:$0x3F9A] =	sst lr;
	_ =	strace $0xD0000000  }
0x3: {  	_ = 	snop  }
0x4: {  	_ = 	snop  }
0x5: {  	_ = 	snop  }
0x6: {  	_ = 	snop  }
0x7: {  	_ = 	snop  }
__scs_overlays_trampoline_lowered:
0x8: {  	[smem:$0x3FA9] =	sst s0  }
0x9: {  	[smem:$0x3FAA] =	sst s1  }
0xa: {  	[smem:$0x3FAB] =	sst s2  }
0xb: {  	[smem:$0x3FAC] =	sst s3  }
0xc: {  	[smem:$0x3FAD] =	sst s4  }
0xd: {  	[smem:$0x3FAE] =	sst s5  }
0xe: {  	[smem:$0x3FAF] =	sst s6  }
0xf: {  	[smem:$0x3FB0] =	sst s7  }
0x10: {  	[smem:$0x3FB1] =	sst s8  }
0x11: {  	[smem:$0x3FB2] =	sst s9;
	s0 =	simm.s32 @!p0 $0x0  }
0x12: {  	s1 =	sld [smem:$0x3F98];
	s0 =	simm.s32 @p0 $0x1  }
0x13: {  	[smem:$0x3FB3] =	sst s0;
	s0 =	simm.s32 @!p1 $0x0  }
0x14: {  	s2 =	sld [smem:$0x3F97];
	s0 =	simm.s32 @p1 $0x1  }
0x15: {  	[smem:$0x3FB4] =	sst s0;
	s0 =	simm.s32 @!p2 $0x0  }
0x16: {  	s3 =	sld [smem:$0x3FDB];
	s0 =	simm.s32 @p2 $0x1  }
0x17: {  	s4 =	simm.s32 $0x1BF5;
	[smem:$0x3FB6] =	sst s0  }
0x18: {  	s0 =	sld [smem:$0x3F99];
	_ =	swait.ge [sflag:s4], $0x0  }
0x19: {  	s7 =	sld [smem:$0x3F9A]  }
0x1a: {  	s8 =	sadd.s32 $0xFFFFE003, lr  }
0x1b: {  	s9 =	sadd.s32 $0xFFFFFEF7, lr;
	s5 =	simm.s32 $0xFFFFFFFF;
	p2 =	slt.u32 s8, $0xFFFFF086  }
0x1c: {  	p1 =	slt.u32 s9, $0xF7A;
	s5 =	simm.s32 @!p2 $0x0  }
0x1d: {  	s5 =	simm.s32 @p1 $0x1;
	p0 =	seq.s32 s7, s2  }
0x1e: {  	s7 =	smul.u32 @!p0 $0xF7A, s2;
	p2 =	seq.s32 @!p0 s5, $0x0  }
0x1f: {  	s9 =	smul.u32 $0xF7A, s1;
	s8 =	simm.s32 @!p0 $0x1BF5;
	p2 =	por !p2, p0  }
0x20: {  	[sflag:s8] =	ssyncset.s32 @!p0 $0xFFFFF086;
	s6 =	sadd.s32 @!p0 s3, s7;
	s7 =	simm.s32 @!p0 $0x108  }
0x21: {  	s3 =	sadd.s32 s3, s9;
	s6 =	sadd.s32 @!p0 $0x88, s6;
	s7 =	simm.s32 @p2 $0x1082  }
0x22: {  	[simem:s7], [sflag:s8] =	dma.local @!p0 [hbm:s6], $0xF7A  }
0x23: {  	s9 =	sor.u32 $0xD0000000, s2;
	s6 =	simm.s32 $0x108;
	_ =	swait.ge @!p0 [sflag:s8], $0x0  }
0x24: {  	s3 =	sadd.s32 $0x88, s3;
	s6 =	simm.s32 @!p1 $0x1082;
	[sflag:s4] =	ssyncset.s32 $0xFFFFF086  }
0x25: {  	[simem:s6], [sflag:s4] =	dma.local [hbm:s3], $0xF7A  }
0x26: {  	[smem:$0x3F9A] =	sst s1;
	(tag) =	ssettag s2;
	_ =	strace s9  }
0x27: {  	s1 =	sld [smem:$0x3FAA]  }
0x28: {  	s2 =	sld [smem:$0x3FAB]  }
0x29: {  	s4 =	sld [smem:$0x3FAD]  }
0x2a: {  	p0 =	seq.s32 s5, $0x0;
	s5 =	sld [smem:$0x3FAE]  }
0x2b: {  	s6 =	sld [smem:$0x3FAF]  }
0x2c: {  	s7 =	sld [smem:$0x3FB0]  }
0x2d: {  	s3 =	simm.s32 $0x108;
	s8 =	sld [smem:$0x3FB1]  }
0x2e: {  	s3 =	simm.s32 @!p0 $0x1082;
	s9 =	sld [smem:$0x3FB2]  }
0x2f: {  	lr =	sadd.s32 s0, s3;
	s0 =	sld [smem:$0x3FA9]  }
0x30: {  	s3 =	sld [smem:$0x3FAC]  }
0x31: {  	[smem:$0x3FB5] =	sst s10  }
0x32: {  	s10 =	sld [smem:$0x3FB3];
	_ =	sdelay $0x3  }
0x33: {  	p0 =	seq.s32 s10, $0x1;
	s10 =	sld [smem:$0x3FB5];
	_ =	sdelay $0x3  }
0x34: {  	[smem:$0x3FB5] =	sst s10  }
0x35: {  	s10 =	sld [smem:$0x3FB4];
	_ =	sdelay $0x3  }
0x36: {  	p1 =	seq.s32 s10, $0x1;
	s10 =	sld [smem:$0x3FB5];
	_ =	sdelay $0x3  }
0x37: {  	[smem:$0x3FB5] =	sst s10  }
0x38: {  	s10 =	sld [smem:$0x3FB6]  }
0x39: {  	_ = 	snop;
	(pc) =	sbr.ind lr, $3  }
0x3a: {  	_ = 	snop  }
0x3b: {  	_ = 	snop  }
0x3c: {  	p2 =	seq.s32 s10, $0x1;
	s10 =	sld [smem:$0x3FB5]  }
0x3d: {  	_ =	shalt  }
0x3e: {  	_ =	shalt  }
0x3f: {  	_ =	shalt  }
0x40: {  	_ =	shalt  }
0x41: {  	_ =	shalt  }
0x42: {  	_ =	shalt  }
0x43: {  	_ =	shalt  }
0x44: {  	_ =	shalt  }
0x45: {  	_ =	shalt  }
0x46: {  	_ =	shalt  }
0x47: {  	_ =	shalt  }
0x48: {  	_ =	shalt  }
0x49: {  	_ =	shalt  }
0x4a: {  	_ =	shalt  }
0x4b: {  	_ =	shalt  }
0x4c: {  	_ =	shalt  }
0x4d: {  	_ =	shalt  }
0x4e: {  	_ =	shalt  }
0x4f: {  	_ =	shalt  }
0x50: {  	_ =	shalt  }
0x51: {  	_ =	shalt  }
0x52: {  	_ =	shalt  }
0x53: {  	_ =	shalt  }
0x54: {  	_ =	shalt  }
0x55: {  	_ =	shalt  }
0x56: {  	_ =	shalt  }
0x57: {  	_ =	shalt  }
0x58: {  	_ =	shalt  }
0x59: {  	_ =	shalt  }
0x5a: {  	_ =	shalt  }
0x5b: {  	_ =	shalt  }
0x5c: {  	_ =	shalt  }
0x5d: {  	_ =	shalt  }
0x5e: {  	_ =	shalt  }
0x5f: {  	_ =	shalt  }
0x60: {  	_ =	shalt  }
0x61: {  	_ =	shalt  }
0x62: {  	_ =	shalt  }
0x63: {  	_ =	shalt  }
0x64: {  	_ =	shalt  }
0x65: {  	_ =	shalt  }
0x66: {  	_ =	shalt  }
0x67: {  	_ =	shalt  }
0x68: {  	_ =	shalt  }
0x69: {  	_ =	shalt  }
0x6a: {  	_ =	shalt  }
0x6b: {  	_ =	shalt  }
0x6c: {  	_ =	shalt  }
0x6d: {  	_ =	shalt  }
0x6e: {  	_ =	shalt  }
0x6f: {  	_ =	shalt  }
0x70: {  	_ =	shalt  }
0x71: {  	_ =	shalt  }
0x72: {  	_ =	shalt  }
0x73: {  	_ =	shalt  }
0x74: {  	_ =	shalt  }
0x75: {  	_ =	shalt  }
0x76: {  	_ =	shalt  }
0x77: {  	_ =	shalt  }
0x78: {  	_ =	shalt  }
0x79: {  	_ =	shalt  }
0x7a: {  	_ =	shalt  }
0x7b: {  	_ =	shalt  }
0x7c: {  	_ =	shalt  }
0x7d: {  	_ =	shalt  }
0x7e: {  	_ =	shalt  }
0x7f: {  	_ =	shalt  }
0x80: {  	_ =	shalt  }
0x81: {  	_ =	shalt  }
0x82: {  	_ =	shalt  }
0x83: {  	_ =	shalt  }
0x84: {  	_ =	shalt  }
0x85: {  	_ =	shalt  }
0x86: {  	_ =	shalt  }
0x87: {  	_ =	shalt  }
.Lfunc_end0:
.L_simem_size_0:
called_computation_lowered:
.L_overlay_start_0:
0x88: {  	s2 =	sld [smem:$0x3FD9]  }
0x89: {  	s3 =	sld [smem:$0x3FFE];
	_ =	sdelay $0x1  }
0x8a: {  	s1 =	srdreg.scid  }
0x8b: {  	s0 =	sand.u32 $0x1, s1  }
0x8c: {  	s16 =	sshll.u32 s0, $0xA;
	s2 =	sadd.s32 s3, s2  }
0x8d: {  	s2 =	sadd.s32 s2, s16  }
0x8e: {  	[smem:$0x3FC1] =	sst s2  }
0x8f: {  	_ = 	snop  }
0x90: {  	(tm) =	ssettm $0x1  }
0x91: {  	s17 =	sld [smem:$0x3FFB];
	_ =	sdelay $0x3  }
0x92: {  	_ =	strace s17  }
0x93: {  	s2 =	sld [smem:$0x3FFC];
	_ =	sdelay $0x3  }
0x94: {  	_ =	strace s2  }
0x95: {  	s2 =	sld [smem:$0x3FFD];
	_ =	sdelay $0x3  }
0x96: {  	_ =	strace s2  }
0x97: {  	_ =	strace $0x8FFFFFFF  }
0x98: {  	s18 =	sld [smem:$0x3FDB];
	_ =	sdelay $0x1  }
0x99: {  	s19 =	simm.s32 $_scs_section_size  }
0x9a: {  	s4 =	simm.s32 $_size__tile_overlayer_lowered;
	s5 =	simm.s32 $_tile_overlayer_lowered  }
0x9b: {  	s22 =	simm.s32 $0x1BFF;
	s21 =	sshll.u32 s5, $0x1;
	s2 =	sadd.s32 s19, s18  }
0x9c: {  	s6 =	simm.s32 $0x0;
	s20 =	sshll.u32 s4, $0x1;
	s4 =	sadd.s32 s21, s2  }
0x9d: {  	[timem:s6], [sflag:s22] =	dma.local [hbm:s4], s20  }
0x9e: {  	_ =	swait.ge [sflag:s22], s20  }
0x9f: {  	s3 =	ssub.s32 $0x0, s20;
	[sflag:s22] =	ssyncset.done $0x0  }
0xa0: {  	[sflag:s22] =	ssyncadd.s32 s3;
	_ =	sdelay $0x1  }
0xa1: {  	s23 =	simm.s32 $0x1B8B  }
0xa2: {  	_ =	swait.ge [sflag:s23], $0x1  }
0xa3: {  	[sflag:s23] =	ssyncset.done $0x0  }
0xa4: {  	s25 =	simm.s32 $0x1B8E;
	s24 =	sld [smem:$0x3FFE];
	[sflag:s23] =	ssyncadd.s32 $0xFFFFFFFF  }
0xa5: {  	s26 =	simm.s32 $execute0_lowered;
	[smem:$0x3FD2] =	sst s25  }
0xa6: {  	s4 =	sshll.u32 s26, $0x1;
	_ =	strace $0x80000046;
	[dreg:$0x1] =	wrdreg $0xFFFFFFFF  }
0xa7: {  	s28 =	simm.s32 $_size_execute0_lowered;
	s2 =	sadd.s32 s2, s4;
	[dreg:$0x0] =	wrdreg $0x0  }
0xa8: {  	s4 =	sshll.u32 s28, $0x1;
	[dreg:$0x2] =	wrdreg s2  }
0xa9: {  	[dreg:$0x3] =	wrdreg s4  }
0xaa: {  	[dreg:$0x4] =	wrdreg $0xC0  }
0xab: {  	_ =	task [dreg:s6], $0x5FFFF  }
0xac: {  	[dreg:$0x1] =	wrdreg $0xFFFFFFFF  }
0xad: {  	[dreg:$0x0] =	wrdreg $0x60  }
0xae: {  	[dreg:$0x2] =	wrdreg s24  }
0xaf: {  	[dreg:$0x3] =	wrdreg $0x9  }
0xb0: {  	_ =	task.clear_ibuf [dreg:s6], $0x4FFFF;
	_ =	strace $0x90000046  }
0xb1: {  	s29 =	simm.s32 $0x9;
	_ =	strace $0x80000048  }
0xb2: {  	_ =	swait.ge [sflag:s29], $0x1  }
0xb3: {  	[sflag:s29] =	ssyncadd.s32 $0xFFFFFFFF  }
0xb4: {  	_ =	strace $0x90000048  }
0xb5: {  	_ =	sfence  }
0xb6: {  	s30 =	sld [smem:$0x0];
	_ =	sdelay $0x2  }
0xb7: {  	s31 =	sshll.u32 s1, $0xD;
	s1 =	sshrl.u32 s1, $0x2  }
0xb8: {  	s3 =	sand.u32 $0x4000, s31;
	s1 =	sadd.s32 s1, s30  }
0xb9: {  	s0 =	sor.u32 s3, s0;
	s1 =	sshll.u32 s1, $0x11  }
0xba: {  	s0 =	sor.u32 s1, s0  }
0xbb: {  	s0 =	sadd.s32 $0x8F2B, s0  }
0xbc: {  	[sflag:s0] =	ssyncadd.remote.s32 $0x1  }
0xbd: {  	_ =	sfence.sel $0xFFFF  }
0xbe: {  	[dreg:$0x0] =	wrdreg $0xFFFFFFFF;
	(pc) =	sbr.abs _section_cstart, $3  }
0xbf: {  	[dreg:$0x1] =	wrdreg $0xFFFFFFFF  }
0xc0: {  	_ =	task.clear_ibuf [dreg:s6], $0x2FFFF;
	_ =	strace $0x9FFFFFFF  }
0xc1: {  	(tm) =	ssettm $0x7FFFFFFF  }
tec
execute0_lowered:
.L_overlay_start_1:
0x0: {  	(tag) =	ssettag $0x1  }
0x1: {  	s4 =	rddreg [dreg:$0x0]  }
0x2: {  	s0 =	rddreg [dreg:$0x1];
	s2 =	simm.s32 $0x0;
	s3 =	srdreg.scid  }
0x3: {  	s1 =	stileid.u32;
	s10 =	simm.s32 $0x0;
	[smem:$0x7FF] =	sst s2  }
0x4: {  	s5 =	sand.u32 $0x1, s3;
	s6 =	sshll.u32 s1, $0xC;
	s3 =	sadd.s32 $0x3A00, s4  }
0x5: {  	s8 =	sshll.u32 s1, $0x10;
	_ =	strace $0x80000047;
	s7 =	sshll.u32 s5, $0xB  }
0x6: {  	s31 =	ssub.s32 $0x2, s5;
	s8 =	sadd.s32 s8, s4;
	s5 =	sshll.u32 s5, $0xF  }
0x7: {  	s6 =	sor.u32 s7, s6;
	s9 =	sshrl.u32 s31, $0x1;
	s5 =	sadd.s32 s5, s8  }
0x8: {  	s8 =	simm.s32 $0x80;
	s6 =	sshrl.u32 s6, $0x3;
	s7 =	ssub.s32 s31, s9  }
0x9: {  	s5 =	sadd.s32 $0x83A00, s5;
	s9 =	simm.s32 $0x1;
	s6 =	sadd.s32 s6, s4  }
0xa: {  	s4 =	smax.u32 s7, $0x1;
	s7 =	simm.s32 $0x2;
	s6 =	sadd.s32 $0x1A00, s6  }
.LBB2_1:
0xb: {  	s11 =	sadd.s32 $0x0, s6  }
0xc: {  	[tilespmem:s2], [sflag:$0x2] =	stream.linear.gather [hbm4b:s11+s2], $0x80, $0x38;
	[tilespmem:$0x4080] =	vst v63  }
0xd: {  	_ =	swait.ge [sflag:s7], $0x80  }
0xe: {  	[sflag:s7] =	ssyncset.done $0x0  }
0xf: {  	[sflag:s7] =	ssyncadd.s32 $0xFFFFFF80  }
0x10: {  	[tilespmem:s8], [sflag:$0x1] =	stream.indirect.gather [hbm4b:s3+s8], $0x80, s2, s8, $0xb8;
	[tilespmem:$0x4080] =	vst v63  }
0x11: {  	_ =	swait.ge [sflag:s9], $0x4000  }
0x12: {  	[sflag:s9] =	ssyncset.done $0x0  }
0x13: {  	[sflag:s9] =	ssyncadd.s32 $0xFFFFC000  }
0x14: {  	[hbm4b:s5+s2] =	stream.linear.scatter [tilespmem:s8], [sflag:$0x2], $0x4000, $0x38;
	[tilespmem:$0x4080] =	vst v63  }
0x15: {  	s12 =	simm.s32 $0x10;
	_ =	swait.ge [sflag:s7], $0x4000  }
0x16: {  	s13 =	simm.s32 $0x20;
	s11 =	sadd.s32 $0x800, s5;
	[sflag:s7] =	ssyncset.done $0x0  }
.LBB2_2:
0x17: {  	s14 =	sadd.s32 s12, s6  }
0x18: {  	[sflag:s7] =	ssyncadd.s32 $0xFFFFC000;
	s12 =	smov.u32 s13;
	s15 =	sadd.s32 $0x10, s13  }
0x19: {  	[tilespmem:s2], [sflag:$0x2] =	stream.linear.gather [hbm4b:s14+s2], $0x80, $0x38;
	[tilespmem:$0x4080] =	vst v63  }
0x1a: {  	p0 =	sne.s32 s13, $0xF0;
	_ =	swait.ge [sflag:s7], $0x80  }
0x1b: {  	[sflag:s7] =	ssyncset.done $0x0  }
0x1c: {  	[sflag:s7] =	ssyncadd.s32 $0xFFFFFF80  }
0x1d: {  	[tilespmem:s8], [sflag:$0x1] =	stream.indirect.gather [hbm4b:s3+s8], $0x80, s2, s8, $0xb8;
	[tilespmem:$0x4080] =	vst v63  }
0x1e: {  	_ =	swait.ge [sflag:s9], $0x4000  }
.Ltmp0:
0x1f: {  	[sflag:s9] =	ssyncset.done $0x0;
	(pc) =	sbr.rel @p0 .LBB2_2-.Ltmp0, $4  }
0x20: {  	[sflag:s9] =	ssyncadd.s32 $0xFFFFC000  }
0x21: {  	[hbm4b:s11+s2] =	stream.linear.scatter [tilespmem:s8], [sflag:$0x2], $0x4000, $0x38;
	[tilespmem:$0x4080] =	vst v63  }
0x22: {  	_ =	swait.ge [sflag:s7], $0x4000  }
0x23: {  	s13 =	smov.u32 s15;
	s11 =	sadd.s32 $0x800, s11;
	[sflag:s7] =	ssyncset.done $0x0  }
0x24: {  	s12 =	sadd.s32 s12, s6;
	[sflag:s7] =	ssyncadd.s32 $0xFFFFC000  }
0x25: {  	[tilespmem:s2], [sflag:$0x2] =	stream.linear.gather [hbm4b:s12+s2], $0x80, $0x38;
	[tilespmem:$0x4080] =	vst v63  }
0x26: {  	_ =	swait.ge [sflag:s7], $0x80  }
0x27: {  	[sflag:s7] =	ssyncset.done $0x0  }
0x28: {  	[sflag:s7] =	ssyncadd.s32 $0xFFFFFF80  }
0x29: {  	[tilespmem:s8], [sflag:$0x1] =	stream.indirect.gather [hbm4b:s3+s8], $0x80, s2, s8, $0xb8;
	[tilespmem:$0x4080] =	vst v63  }
0x2a: {  	s10 =	sadd.s32 $0x1, s10;
	_ =	swait.ge [sflag:s9], $0x4000  }
0x2b: {  	p0 =	sne.s32 s10, s4;
	[sflag:s9] =	ssyncset.done $0x0  }
.Ltmp1:
0x2c: {  	[sflag:s9] =	ssyncadd.s32 $0xFFFFC000;
	(pc) =	sbr.rel @p0 .LBB2_1-.Ltmp1, $4  }
0x2d: {  	[hbm4b:s11+s2] =	stream.linear.scatter [tilespmem:s8], [sflag:$0x2], $0x4000, $0x38;
	[tilespmem:$0x4080] =	vst v63  }
0x2e: {  	_ =	swait.ge [sflag:s7], $0x4000  }
0x2f: {  	[sflag:s7] =	ssyncset.done $0x0  }
0x30: {  	[sflag:s7] =	ssyncadd.s32 $0xFFFFC000  }
0x31: {  	_ =	sfence.sel $0x180000  }
0x32: {  	[bflag:$0x0] =	sbarrier.arrive $0xFFFF  }
0x33: {  	p0 =	sne.s32 s1, $0x0;
	_ =	strace $0x90000047  }
0x34: {  	s0 =	sadd.s32 @!p0 $0x100000, s0;
	[bflag:$0x2] =	sbarrier.arrive $0xFFFF  }
0x35: {  	[sflag:s0] =	ssyncadd.tile.s32 @!p0 $0x1;
	_ =	shalt  }
.Lfunc_end2:
_tile_overlayer_lowered:
.L_overlay_start_2:
0x36: {  	(tag) =	ssettag $0x2  }
0x37: {  	s0 =	rddreg [dreg:$0x0];
	s2 =	stileid.u32  }
0x38: {  	s1 =	rddreg [dreg:$0x1];
	p0 =	sne.s32 s2, $0x0  }
0x39: {  	s3 =	rddreg [dreg:$0x2];
	[bflag:$0x3] =	sbarrier.arrive $0xFFFF;
	s2 =	simm.s32 @!p0 $0x1C02  }
0x3a: {  	[timem:s3], [sflag:s2] =	dma.local @!p0 [hbm:s0], s1  }
0x3b: {  	s0 =	simm.s32 @!p0 $0x2  }
0x3c: {  	_ =	swait.ge @!p0 [sflag:s0], s1  }
0x3d: {  	s1 =	ssub.s32 @!p0 $0x0, s1;
	[sflag:s0] =	ssyncset.done @!p0 $0x0  }
0x3e: {  	[sflag:s0] =	ssyncadd.s32 @!p0 s1  }
0x3f: {  	[bflag:$0x3] =	sbarrier.arrive $0xFFFF  }
0x40: {  	_ =	shalt  }

</sc_bundles>
